<compile_context>
chip_gen: v7x
topology: tpu7x:2x2x1
jax: 0.10.2.dev20260603
libtpu: 0.0.44.dev20260713+nightly
codegen_flags: <defaults>
</compile_context>

<pallas_src>
import functools

import jax
import jax.numpy as jnp
from jax import lax
from jax.experimental import pallas as pl
from jax.experimental.pallas import tpu as pltpu
from jax.experimental.pallas import tpu_sc as plsc

_B = 8
_C = 5
_E = 100
_EP = 112
_FULL = 96


@functools.partial(
    pl.kernel,
    mesh=plsc.VectorSubcoreMesh(core_axis_name="c", subcore_axis_name="s"),
    out_type=jax.ShapeDtypeStruct((_B, 16), jnp.float32),
    scratch_types=[
        pltpu.VMEM((_C, _EP), jnp.float32),
        pltpu.VMEM((16,), jnp.float32),
        pltpu.SemaphoreType.DMA,
    ],
)
def _sc_mean(in1_hbm, out_hbm, buf_in, buf_out, sem):
    cid = lax.axis_index("c")
    sid = lax.axis_index("s")

    @pl.when((cid == 0) & (sid < _B))
    def _():
        b = sid
        copies = [
            pltpu.async_copy(in1_hbm.at[b, c, pl.ds(0, _EP)], buf_in.at[c], sem)
            for c in range(_C)
        ]
        for cp in copies:
            cp.wait()
        lane = lax.iota(jnp.int32, 16)
        outv = jnp.zeros((16,), jnp.float32)
        for c in range(_C):
            acc = buf_in[c, pl.ds(0, 16)]
            for j in range(1, _FULL // 16):
                acc = acc + buf_in[c, pl.ds(j * 16, 16)]
            tail = buf_in[c, pl.ds(_FULL, 16)]
            total = acc[0]
            for l in range(1, 16):
                total = total + acc[l]
            for e in range(_E - _FULL):
                total = total + tail[e]
            outv = jnp.where(lane == c, total * jnp.float32(1.0 / _E), outv)
        buf_out[...] = outv
        pltpu.sync_copy(buf_out, out_hbm.at[b])


def kernel(in1, in2, operation, attr1=1, attr2=1, attr3=1):
    del in2, operation, attr1, attr2, attr3
    return _sc_mean(in1)[:, :_C]

# --- scband reference (transcript-rebuilt; emitter-appended) ---
"""Pipeline reference for scband-centernet-helper-36661840839218 (READ-ONLY COPY).

The authoritative reference and input builder live on the scoring server;
editing this copy changes nothing except your own understanding.
"""

import jax, jax.numpy as jnp
import numpy as np


def setup_inputs(seed: int = 0) -> dict:
    key = jax.random.key(seed)
    k1, k2 = jax.random.split(key)
    in1 = jax.random.normal(k1, (8, 80, 16384), dtype=jnp.float32)
    in2 = jax.random.normal(k2, (8, 100), dtype=jnp.float32)
    # operation is a plain python int scalar (enum value), 2 == TOPK branch
    return {"in1": in1, "in2": in2, "operation": 2, "attr1": 1, "attr2": 1, "attr3": 1}


def reference(in1, in2, operation, attr1=1, attr2=1, attr3=1):
    # Faithful translation of OnnxCenternetHelper.forward
    # operation is always 2 (TOPK); branch structure is static, but the
    # traced arguments are folded in via a no-op selection.
    # torch: in1[:, 0:5, 0:100].squeeze().mean(2)
    sliced = in1[:, 0:5, 0:100]
    squeezed = jnp.squeeze(sliced)  # no size-1 dims for B=8, stays [8,5,100]
    out = squeezed.mean(axis=2)
    keep = (
        (jnp.asarray(operation) == 2)
        & (jnp.asarray(attr1) == attr1)
        & (jnp.asarray(attr2) == attr2)
        & (jnp.asarray(attr3) == attr3)
    )
    return jnp.where(keep, out, out)

if __name__ == "__main__":
    import jax
    _d = setup_inputs()
    print(jax.jit(kernel)(*tuple(_d.values())))

</pallas_src>

<mosaic_0001>
#map = affine_map<(d0, d1) -> (0, 0, 0)>
#map1 = affine_map<(d0, d1) -> (0, 0)>
module attributes {stable_mosaic.version = 14 : i64} {
  func.func @_sc_mean(%arg0: i32, %arg1: i32, %arg2: memref<8x80x16384xf32, #tpu.memory_space<hbm>>, %arg3: memref<8x16xf32, #tpu.memory_space<hbm>>, %arg4: memref<5x112xf32, #tpu.memory_space<vmem>>, %arg5: memref<16xf32, #tpu.memory_space<vmem>>, %arg6: memref<!tpu.dma_semaphore, #tpu.memory_space<semaphore_mem>>) attributes {dimension_semantics = [#tpu.dimension_semantics<core_parallel>, #tpu.dimension_semantics<subcore_parallel>], iteration_bounds = array<i64: 2, 16>, scalar_prefetch = 0 : i64, scratch_operands = 3 : i64, tpu.core_type = #tpu.core_type<sc_vector_subcore>, window_params = [{transform_indices = #map}, {transform_indices = #map1}]} {
    %eq3A = arith.constant 0 : i32
    %eq3A_0 = arith.cmpi eq, %arg0, %eq3A : i32
    %lt3A = arith.constant 8 : i32
    %lt3A_1 = arith.cmpi slt, %arg1, %lt3A : i32
    %and3A = arith.andi %eq3A_0, %lt3A_1 : i1
    %convert_element_type3A = arith.extui %and3A : i1 to i32
    %cond3A = arith.constant 0 : i32
    %cond3A_2 = arith.cmpi ne, %convert_element_type3A, %cond3A : i32
    scf.if %cond3A_2 {
      %dma_start3A = arith.constant 0 : i32
      %dma_start3A_3 = arith.constant 0 : i32
      %dma_start3A_4 = arith.constant 0 : i32
      %dma_start3A_5 = tpu.memref_slice %arg4[%dma_start3A_3, %dma_start3A_4] : memref<5x112xf32, #tpu.memory_space<vmem>> -> memref<1x112xf32, #tpu.memory_space<vmem>>
      %dma_start3A_6 = tpu.memref_squeeze %dma_start3A_5 : memref<1x112xf32, #tpu.memory_space<vmem>> -> memref<112xf32, #tpu.memory_space<vmem>>
      %dma_start3A_7 = arith.constant 0 : i32
      %dma_start3A_8 = tpu.memref_slice %arg2[%arg1, %dma_start3A, %dma_start3A_7] : memref<8x80x16384xf32, #tpu.memory_space<hbm>> -> memref<1x1x112xf32, #tpu.memory_space<hbm>>
      %dma_start3A_9 = tpu.memref_squeeze %dma_start3A_8 : memref<1x1x112xf32, #tpu.memory_space<hbm>> -> memref<112xf32, #tpu.memory_space<hbm>>
      %dma_start3A_10 = arith.constant 0 : i32
      %dma_start3A_11 = tpu.memref_slice %arg4[%dma_start3A_3, %dma_start3A_10] : memref<5x112xf32, #tpu.memory_space<vmem>> -> memref<1x112xf32, #tpu.memory_space<vmem>>
      %dma_start3A_12 = tpu.memref_squeeze %dma_start3A_11 : memref<1x112xf32, #tpu.memory_space<vmem>> -> memref<112xf32, #tpu.memory_space<vmem>>
      %dma_start3A_13 = arith.constant 0 : i32
      %dma_start3A_14 = tpu.memref_slice %arg2[%arg1, %dma_start3A, %dma_start3A_13] : memref<8x80x16384xf32, #tpu.memory_space<hbm>> -> memref<1x1x112xf32, #tpu.memory_space<hbm>>
      %dma_start3A_15 = tpu.memref_squeeze %dma_start3A_14 : memref<1x1x112xf32, #tpu.memory_space<hbm>> -> memref<112xf32, #tpu.memory_space<hbm>>
      tpu.enqueue_dma source(%dma_start3A_15 : memref<112xf32, #tpu.memory_space<hbm>>) target(%dma_start3A_12 : memref<112xf32, #tpu.memory_space<vmem>>) target_semaphore(%arg6 : memref<!tpu.dma_semaphore, #tpu.memory_space<semaphore_mem>>)
      %dma_start3A_16 = arith.constant 1 : i32
      %dma_start3A_17 = arith.constant 1 : i32
      %dma_start3A_18 = arith.constant 0 : i32
      %dma_start3A_19 = tpu.memref_slice %arg4[%dma_start3A_17, %dma_start3A_18] : memref<5x112xf32, #tpu.memory_space<vmem>> -> memref<1x112xf32, #tpu.memory_space<vmem>>
      %dma_start3A_20 = tpu.memref_squeeze %dma_start3A_19 : memref<1x112xf32, #tpu.memory_space<vmem>> -> memref<112xf32, #tpu.memory_space<vmem>>
      %dma_start3A_21 = arith.constant 0 : i32
      %dma_start3A_22 = tpu.memref_slice %arg2[%arg1, %dma_start3A_16, %dma_start3A_21] : memref<8x80x16384xf32, #tpu.memory_space<hbm>> -> memref<1x1x112xf32, #tpu.memory_space<hbm>>
      %dma_start3A_23 = tpu.memref_squeeze %dma_start3A_22 : memref<1x1x112xf32, #tpu.memory_space<hbm>> -> memref<112xf32, #tpu.memory_space<hbm>>
      %dma_start3A_24 = arith.constant 0 : i32
      %dma_start3A_25 = tpu.memref_slice %arg4[%dma_start3A_17, %dma_start3A_24] : memref<5x112xf32, #tpu.memory_space<vmem>> -> memref<1x112xf32, #tpu.memory_space<vmem>>
      %dma_start3A_26 = tpu.memref_squeeze %dma_start3A_25 : memref<1x112xf32, #tpu.memory_space<vmem>> -> memref<112xf32, #tpu.memory_space<vmem>>
      %dma_start3A_27 = arith.constant 0 : i32
      %dma_start3A_28 = tpu.memref_slice %arg2[%arg1, %dma_start3A_16, %dma_start3A_27] : memref<8x80x16384xf32, #tpu.memory_space<hbm>> -> memref<1x1x112xf32, #tpu.memory_space<hbm>>
      %dma_start3A_29 = tpu.memref_squeeze %dma_start3A_28 : memref<1x1x112xf32, #tpu.memory_space<hbm>> -> memref<112xf32, #tpu.memory_space<hbm>>
      tpu.enqueue_dma source(%dma_start3A_29 : memref<112xf32, #tpu.memory_space<hbm>>) target(%dma_start3A_26 : memref<112xf32, #tpu.memory_space<vmem>>) target_semaphore(%arg6 : memref<!tpu.dma_semaphore, #tpu.memory_space<semaphore_mem>>)
      %dma_start3A_30 = arith.constant 2 : i32
      %dma_start3A_31 = arith.constant 2 : i32
      %dma_start3A_32 = arith.constant 0 : i32
      %dma_start3A_33 = tpu.memref_slice %arg4[%dma_start3A_31, %dma_start3A_32] : memref<5x112xf32, #tpu.memory_space<vmem>> -> memref<1x112xf32, #tpu.memory_space<vmem>>
      %dma_start3A_34 = tpu.memref_squeeze %dma_start3A_33 : memref<1x112xf32, #tpu.memory_space<vmem>> -> memref<112xf32, #tpu.memory_space<vmem>>
      %dma_start3A_35 = arith.constant 0 : i32
      %dma_start3A_36 = tpu.memref_slice %arg2[%arg1, %dma_start3A_30, %dma_start3A_35] : memref<8x80x16384xf32, #tpu.memory_space<hbm>> -> memref<1x1x112xf32, #tpu.memory_space<hbm>>
      %dma_start3A_37 = tpu.memref_squeeze %dma_start3A_36 : memref<1x1x112xf32, #tpu.memory_space<hbm>> -> memref<112xf32, #tpu.memory_space<hbm>>
      %dma_start3A_38 = arith.constant 0 : i32
      %dma_start3A_39 = tpu.memref_slice %arg4[%dma_start3A_31, %dma_start3A_38] : memref<5x112xf32, #tpu.memory_space<vmem>> -> memref<1x112xf32, #tpu.memory_space<vmem>>
      %dma_start3A_40 = tpu.memref_squeeze %dma_start3A_39 : memref<1x112xf32, #tpu.memory_space<vmem>> -> memref<112xf32, #tpu.memory_space<vmem>>
      %dma_start3A_41 = arith.constant 0 : i32
      %dma_start3A_42 = tpu.memref_slice %arg2[%arg1, %dma_start3A_30, %dma_start3A_41] : memref<8x80x16384xf32, #tpu.memory_space<hbm>> -> memref<1x1x112xf32, #tpu.memory_space<hbm>>
      %dma_start3A_43 = tpu.memref_squeeze %dma_start3A_42 : memref<1x1x112xf32, #tpu.memory_space<hbm>> -> memref<112xf32, #tpu.memory_space<hbm>>
      tpu.enqueue_dma source(%dma_start3A_43 : memref<112xf32, #tpu.memory_space<hbm>>) target(%dma_start3A_40 : memref<112xf32, #tpu.memory_space<vmem>>) target_semaphore(%arg6 : memref<!tpu.dma_semaphore, #tpu.memory_space<semaphore_mem>>)
      %dma_start3A_44 = arith.constant 3 : i32
      %dma_start3A_45 = arith.constant 3 : i32
      %dma_start3A_46 = arith.constant 0 : i32
      %dma_start3A_47 = tpu.memref_slice %arg4[%dma_start3A_45, %dma_start3A_46] : memref<5x112xf32, #tpu.memory_space<vmem>> -> memref<1x112xf32, #tpu.memory_space<vmem>>
      %dma_start3A_48 = tpu.memref_squeeze %dma_start3A_47 : memref<1x112xf32, #tpu.memory_space<vmem>> -> memref<112xf32, #tpu.memory_space<vmem>>
      %dma_start3A_49 = arith.constant 0 : i32
      %dma_start3A_50 = tpu.memref_slice %arg2[%arg1, %dma_start3A_44, %dma_start3A_49] : memref<8x80x16384xf32, #tpu.memory_space<hbm>> -> memref<1x1x112xf32, #tpu.memory_space<hbm>>
      %dma_start3A_51 = tpu.memref_squeeze %dma_start3A_50 : memref<1x1x112xf32, #tpu.memory_space<hbm>> -> memref<112xf32, #tpu.memory_space<hbm>>
      %dma_start3A_52 = arith.constant 0 : i32
      %dma_start3A_53 = tpu.memref_slice %arg4[%dma_start3A_45, %dma_start3A_52] : memref<5x112xf32, #tpu.memory_space<vmem>> -> memref<1x112xf32, #tpu.memory_space<vmem>>
      %dma_start3A_54 = tpu.memref_squeeze %dma_start3A_53 : memref<1x112xf32, #tpu.memory_space<vmem>> -> memref<112xf32, #tpu.memory_space<vmem>>
      %dma_start3A_55 = arith.constant 0 : i32
      %dma_start3A_56 = tpu.memref_slice %arg2[%arg1, %dma_start3A_44, %dma_start3A_55] : memref<8x80x16384xf32, #tpu.memory_space<hbm>> -> memref<1x1x112xf32, #tpu.memory_space<hbm>>
      %dma_start3A_57 = tpu.memref_squeeze %dma_start3A_56 : memref<1x1x112xf32, #tpu.memory_space<hbm>> -> memref<112xf32, #tpu.memory_space<hbm>>
      tpu.enqueue_dma source(%dma_start3A_57 : memref<112xf32, #tpu.memory_space<hbm>>) target(%dma_start3A_54 : memref<112xf32, #tpu.memory_space<vmem>>) target_semaphore(%arg6 : memref<!tpu.dma_semaphore, #tpu.memory_space<semaphore_mem>>)
      %dma_start3A_58 = arith.constant 4 : i32
      %dma_start3A_59 = arith.constant 4 : i32
      %dma_start3A_60 = arith.constant 0 : i32
      %dma_start3A_61 = tpu.memref_slice %arg4[%dma_start3A_59, %dma_start3A_60] : memref<5x112xf32, #tpu.memory_space<vmem>> -> memref<1x112xf32, #tpu.memory_space<vmem>>
      %dma_start3A_62 = tpu.memref_squeeze %dma_start3A_61 : memref<1x112xf32, #tpu.memory_space<vmem>> -> memref<112xf32, #tpu.memory_space<vmem>>
      %dma_start3A_63 = arith.constant 0 : i32
      %dma_start3A_64 = tpu.memref_slice %arg2[%arg1, %dma_start3A_58, %dma_start3A_63] : memref<8x80x16384xf32, #tpu.memory_space<hbm>> -> memref<1x1x112xf32, #tpu.memory_space<hbm>>
      %dma_start3A_65 = tpu.memref_squeeze %dma_start3A_64 : memref<1x1x112xf32, #tpu.memory_space<hbm>> -> memref<112xf32, #tpu.memory_space<hbm>>
      %dma_start3A_66 = arith.constant 0 : i32
      %dma_start3A_67 = tpu.memref_slice %arg4[%dma_start3A_59, %dma_start3A_66] : memref<5x112xf32, #tpu.memory_space<vmem>> -> memref<1x112xf32, #tpu.memory_space<vmem>>
      %dma_start3A_68 = tpu.memref_squeeze %dma_start3A_67 : memref<1x112xf32, #tpu.memory_space<vmem>> -> memref<112xf32, #tpu.memory_space<vmem>>
      %dma_start3A_69 = arith.constant 0 : i32
      %dma_start3A_70 = tpu.memref_slice %arg2[%arg1, %dma_start3A_58, %dma_start3A_69] : memref<8x80x16384xf32, #tpu.memory_space<hbm>> -> memref<1x1x112xf32, #tpu.memory_space<hbm>>
      %dma_start3A_71 = tpu.memref_squeeze %dma_start3A_70 : memref<1x1x112xf32, #tpu.memory_space<hbm>> -> memref<112xf32, #tpu.memory_space<hbm>>
      tpu.enqueue_dma source(%dma_start3A_71 : memref<112xf32, #tpu.memory_space<hbm>>) target(%dma_start3A_68 : memref<112xf32, #tpu.memory_space<vmem>>) target_semaphore(%arg6 : memref<!tpu.dma_semaphore, #tpu.memory_space<semaphore_mem>>)
      %dma_wait3A = arith.constant 0 : i32
      %dma_wait3A_72 = arith.constant 0 : i32
      %dma_wait3A_73 = arith.constant 0 : i32
      %dma_wait3A_74 = tpu.memref_slice %arg4[%dma_wait3A_72, %dma_wait3A_73] : memref<5x112xf32, #tpu.memory_space<vmem>> -> memref<1x112xf32, #tpu.memory_space<vmem>>
      %dma_wait3A_75 = tpu.memref_squeeze %dma_wait3A_74 : memref<1x112xf32, #tpu.memory_space<vmem>> -> memref<112xf32, #tpu.memory_space<vmem>>
      %dma_wait3A_76 = arith.constant 0 : i32
      %dma_wait3A_77 = tpu.memref_slice %arg2[%arg1, %dma_wait3A, %dma_wait3A_76] : memref<8x80x16384xf32, #tpu.memory_space<hbm>> -> memref<1x1x112xf32, #tpu.memory_space<hbm>>
      %dma_wait3A_78 = tpu.memref_squeeze %dma_wait3A_77 : memref<1x1x112xf32, #tpu.memory_space<hbm>> -> memref<112xf32, #tpu.memory_space<hbm>>
      %dma_wait3A_79 = arith.constant 0 : i32
      %dma_wait3A_80 = tpu.memref_slice %arg4[%dma_wait3A_72, %dma_wait3A_79] : memref<5x112xf32, #tpu.memory_space<vmem>> -> memref<1x112xf32, #tpu.memory_space<vmem>>
      %dma_wait3A_81 = tpu.memref_squeeze %dma_wait3A_80 : memref<1x112xf32, #tpu.memory_space<vmem>> -> memref<112xf32, #tpu.memory_space<vmem>>
      %dma_wait3A_82 = arith.constant 0 : i32
      %dma_wait3A_83 = tpu.memref_slice %arg2[%arg1, %dma_wait3A, %dma_wait3A_82] : memref<8x80x16384xf32, #tpu.memory_space<hbm>> -> memref<1x1x112xf32, #tpu.memory_space<hbm>>
      %dma_wait3A_84 = tpu.memref_squeeze %dma_wait3A_83 : memref<1x1x112xf32, #tpu.memory_space<hbm>> -> memref<112xf32, #tpu.memory_space<hbm>>
      tpu.wait_dma2 semaphore(%arg6 : memref<!tpu.dma_semaphore, #tpu.memory_space<semaphore_mem>>) src(%dma_wait3A_84 : memref<112xf32, #tpu.memory_space<hbm>>) dst(%dma_wait3A_81 : memref<112xf32, #tpu.memory_space<vmem>>)
      %dma_wait3A_85 = arith.constant 1 : i32
      %dma_wait3A_86 = arith.constant 1 : i32
      %dma_wait3A_87 = arith.constant 0 : i32
      %dma_wait3A_88 = tpu.memref_slice %arg4[%dma_wait3A_86, %dma_wait3A_87] : memref<5x112xf32, #tpu.memory_space<vmem>> -> memref<1x112xf32, #tpu.memory_space<vmem>>
      %dma_wait3A_89 = tpu.memref_squeeze %dma_wait3A_88 : memref<1x112xf32, #tpu.memory_space<vmem>> -> memref<112xf32, #tpu.memory_space<vmem>>
      %dma_wait3A_90 = arith.constant 0 : i32
      %dma_wait3A_91 = tpu.memref_slice %arg2[%arg1, %dma_wait3A_85, %dma_wait3A_90] : memref<8x80x16384xf32, #tpu.memory_space<hbm>> -> memref<1x1x112xf32, #tpu.memory_space<hbm>>
      %dma_wait3A_92 = tpu.memref_squeeze %dma_wait3A_91 : memref<1x1x112xf32, #tpu.memory_space<hbm>> -> memref<112xf32, #tpu.memory_space<hbm>>
      %dma_wait3A_93 = arith.constant 0 : i32
      %dma_wait3A_94 = tpu.memref_slice %arg4[%dma_wait3A_86, %dma_wait3A_93] : memref<5x112xf32, #tpu.memory_space<vmem>> -> memref<1x112xf32, #tpu.memory_space<vmem>>
      %dma_wait3A_95 = tpu.memref_squeeze %dma_wait3A_94 : memref<1x112xf32, #tpu.memory_space<vmem>> -> memref<112xf32, #tpu.memory_space<vmem>>
      %dma_wait3A_96 = arith.constant 0 : i32
      %dma_wait3A_97 = tpu.memref_slice %arg2[%arg1, %dma_wait3A_85, %dma_wait3A_96] : memref<8x80x16384xf32, #tpu.memory_space<hbm>> -> memref<1x1x112xf32, #tpu.memory_space<hbm>>
      %dma_wait3A_98 = tpu.memref_squeeze %dma_wait3A_97 : memref<1x1x112xf32, #tpu.memory_space<hbm>> -> memref<112xf32, #tpu.memory_space<hbm>>
      tpu.wait_dma2 semaphore(%arg6 : memref<!tpu.dma_semaphore, #tpu.memory_space<semaphore_mem>>) src(%dma_wait3A_98 : memref<112xf32, #tpu.memory_space<hbm>>) dst(%dma_wait3A_95 : memref<112xf32, #tpu.memory_space<vmem>>)
      %dma_wait3A_99 = arith.constant 2 : i32
      %dma_wait3A_100 = arith.constant 2 : i32
      %dma_wait3A_101 = arith.constant 0 : i32
      %dma_wait3A_102 = tpu.memref_slice %arg4[%dma_wait3A_100, %dma_wait3A_101] : memref<5x112xf32, #tpu.memory_space<vmem>> -> memref<1x112xf32, #tpu.memory_space<vmem>>
      %dma_wait3A_103 = tpu.memref_squeeze %dma_wait3A_102 : memref<1x112xf32, #tpu.memory_space<vmem>> -> memref<112xf32, #tpu.memory_space<vmem>>
      %dma_wait3A_104 = arith.constant 0 : i32
      %dma_wait3A_105 = tpu.memref_slice %arg2[%arg1, %dma_wait3A_99, %dma_wait3A_104] : memref<8x80x16384xf32, #tpu.memory_space<hbm>> -> memref<1x1x112xf32, #tpu.memory_space<hbm>>
      %dma_wait3A_106 = tpu.memref_squeeze %dma_wait3A_105 : memref<1x1x112xf32, #tpu.memory_space<hbm>> -> memref<112xf32, #tpu.memory_space<hbm>>
      %dma_wait3A_107 = arith.constant 0 : i32
      %dma_wait3A_108 = tpu.memref_slice %arg4[%dma_wait3A_100, %dma_wait3A_107] : memref<5x112xf32, #tpu.memory_space<vmem>> -> memref<1x112xf32, #tpu.memory_space<vmem>>
      %dma_wait3A_109 = tpu.memref_squeeze %dma_wait3A_108 : memref<1x112xf32, #tpu.memory_space<vmem>> -> memref<112xf32, #tpu.memory_space<vmem>>
      %dma_wait3A_110 = arith.constant 0 : i32
      %dma_wait3A_111 = tpu.memref_slice %arg2[%arg1, %dma_wait3A_99, %dma_wait3A_110] : memref<8x80x16384xf32, #tpu.memory_space<hbm>> -> memref<1x1x112xf32, #tpu.memory_space<hbm>>
      %dma_wait3A_112 = tpu.memref_squeeze %dma_wait3A_111 : memref<1x1x112xf32, #tpu.memory_space<hbm>> -> memref<112xf32, #tpu.memory_space<hbm>>
      tpu.wait_dma2 semaphore(%arg6 : memref<!tpu.dma_semaphore, #tpu.memory_space<semaphore_mem>>) src(%dma_wait3A_112 : memref<112xf32, #tpu.memory_space<hbm>>) dst(%dma_wait3A_109 : memref<112xf32, #tpu.memory_space<vmem>>)
      %dma_wait3A_113 = arith.constant 3 : i32
      %dma_wait3A_114 = arith.constant 3 : i32
      %dma_wait3A_115 = arith.constant 0 : i32
      %dma_wait3A_116 = tpu.memref_slice %arg4[%dma_wait3A_114, %dma_wait3A_115] : memref<5x112xf32, #tpu.memory_space<vmem>> -> memref<1x112xf32, #tpu.memory_space<vmem>>
      %dma_wait3A_117 = tpu.memref_squeeze %dma_wait3A_116 : memref<1x112xf32, #tpu.memory_space<vmem>> -> memref<112xf32, #tpu.memory_space<vmem>>
      %dma_wait3A_118 = arith.constant 0 : i32
      %dma_wait3A_119 = tpu.memref_slice %arg2[%arg1, %dma_wait3A_113, %dma_wait3A_118] : memref<8x80x16384xf32, #tpu.memory_space<hbm>> -> memref<1x1x112xf32, #tpu.memory_space<hbm>>
      %dma_wait3A_120 = tpu.memref_squeeze %dma_wait3A_119 : memref<1x1x112xf32, #tpu.memory_space<hbm>> -> memref<112xf32, #tpu.memory_space<hbm>>
      %dma_wait3A_121 = arith.constant 0 : i32
      %dma_wait3A_122 = tpu.memref_slice %arg4[%dma_wait3A_114, %dma_wait3A_121] : memref<5x112xf32, #tpu.memory_space<vmem>> -> memref<1x112xf32, #tpu.memory_space<vmem>>
      %dma_wait3A_123 = tpu.memref_squeeze %dma_wait3A_122 : memref<1x112xf32, #tpu.memory_space<vmem>> -> memref<112xf32, #tpu.memory_space<vmem>>
      %dma_wait3A_124 = arith.constant 0 : i32
      %dma_wait3A_125 = tpu.memref_slice %arg2[%arg1, %dma_wait3A_113, %dma_wait3A_124] : memref<8x80x16384xf32, #tpu.memory_space<hbm>> -> memref<1x1x112xf32, #tpu.memory_space<hbm>>
      %dma_wait3A_126 = tpu.memref_squeeze %dma_wait3A_125 : memref<1x1x112xf32, #tpu.memory_space<hbm>> -> memref<112xf32, #tpu.memory_space<hbm>>
      tpu.wait_dma2 semaphore(%arg6 : memref<!tpu.dma_semaphore, #tpu.memory_space<semaphore_mem>>) src(%dma_wait3A_126 : memref<112xf32, #tpu.memory_space<hbm>>) dst(%dma_wait3A_123 : memref<112xf32, #tpu.memory_space<vmem>>)
      %dma_wait3A_127 = arith.constant 4 : i32
      %dma_wait3A_128 = arith.constant 4 : i32
      %dma_wait3A_129 = arith.constant 0 : i32
      %dma_wait3A_130 = tpu.memref_slice %arg4[%dma_wait3A_128, %dma_wait3A_129] : memref<5x112xf32, #tpu.memory_space<vmem>> -> memref<1x112xf32, #tpu.memory_space<vmem>>
      %dma_wait3A_131 = tpu.memref_squeeze %dma_wait3A_130 : memref<1x112xf32, #tpu.memory_space<vmem>> -> memref<112xf32, #tpu.memory_space<vmem>>
      %dma_wait3A_132 = arith.constant 0 : i32
      %dma_wait3A_133 = tpu.memref_slice %arg2[%arg1, %dma_wait3A_127, %dma_wait3A_132] : memref<8x80x16384xf32, #tpu.memory_space<hbm>> -> memref<1x1x112xf32, #tpu.memory_space<hbm>>
      %dma_wait3A_134 = tpu.memref_squeeze %dma_wait3A_133 : memref<1x1x112xf32, #tpu.memory_space<hbm>> -> memref<112xf32, #tpu.memory_space<hbm>>
      %dma_wait3A_135 = arith.constant 0 : i32
      %dma_wait3A_136 = tpu.memref_slice %arg4[%dma_wait3A_128, %dma_wait3A_135] : memref<5x112xf32, #tpu.memory_space<vmem>> -> memref<1x112xf32, #tpu.memory_space<vmem>>
      %dma_wait3A_137 = tpu.memref_squeeze %dma_wait3A_136 : memref<1x112xf32, #tpu.memory_space<vmem>> -> memref<112xf32, #tpu.memory_space<vmem>>
      %dma_wait3A_138 = arith.constant 0 : i32
      %dma_wait3A_139 = tpu.memref_slice %arg2[%arg1, %dma_wait3A_127, %dma_wait3A_138] : memref<8x80x16384xf32, #tpu.memory_space<hbm>> -> memref<1x1x112xf32, #tpu.memory_space<hbm>>
      %dma_wait3A_140 = tpu.memref_squeeze %dma_wait3A_139 : memref<1x1x112xf32, #tpu.memory_space<hbm>> -> memref<112xf32, #tpu.memory_space<hbm>>
      tpu.wait_dma2 semaphore(%arg6 : memref<!tpu.dma_semaphore, #tpu.memory_space<semaphore_mem>>) src(%dma_wait3A_140 : memref<112xf32, #tpu.memory_space<hbm>>) dst(%dma_wait3A_137 : memref<112xf32, #tpu.memory_space<vmem>>)
      %iota3A = tpu.iota {dimensions = array<i32: 0>} : vector<16xi32>
      %broadcast_in_dim3A = arith.constant 0.000000e+00 : f32
      %broadcast_in_dim3A_141 = vector.broadcast %broadcast_in_dim3A : f32 to vector<16xf32>
      %get3A = arith.constant 0 : i32
      %get3A_142 = arith.index_cast %get3A : i32 to index
      %get3A_143 = arith.constant 0 : index
      %get3A_144 = tpu.vector_load %arg4[%get3A_142, %get3A_143] {strides = array<i32>} : memref<5x112xf32, #tpu.memory_space<vmem>>, vector<1x16xf32>,
      %get3A_145 = vector.shape_cast %get3A_144 : vector<1x16xf32> to vector<16xf32>
      %get3A_146 = arith.constant 0 : i32
      %get3A_147 = arith.index_cast %get3A_146 : i32 to index
      %get3A_148 = arith.constant 16 : index
      %get3A_149 = tpu.vector_load %arg4[%get3A_147, %get3A_148] {strides = array<i32>} : memref<5x112xf32, #tpu.memory_space<vmem>>, vector<1x16xf32>,
      %get3A_150 = vector.shape_cast %get3A_149 : vector<1x16xf32> to vector<16xf32>
      %add3A = arith.addf %get3A_145, %get3A_150 : vector<16xf32>
      %get3A_151 = arith.constant 0 : i32
      %get3A_152 = arith.index_cast %get3A_151 : i32 to index
      %get3A_153 = arith.constant 32 : index
      %get3A_154 = tpu.vector_load %arg4[%get3A_152, %get3A_153] {strides = array<i32>} : memref<5x112xf32, #tpu.memory_space<vmem>>, vector<1x16xf32>,
      %get3A_155 = vector.shape_cast %get3A_154 : vector<1x16xf32> to vector<16xf32>
      %add3A_156 = arith.addf %add3A, %get3A_155 : vector<16xf32>
      %get3A_157 = arith.constant 0 : i32
      %get3A_158 = arith.index_cast %get3A_157 : i32 to index
      %get3A_159 = arith.constant 48 : index
      %get3A_160 = tpu.vector_load %arg4[%get3A_158, %get3A_159] {strides = array<i32>} : memref<5x112xf32, #tpu.memory_space<vmem>>, vector<1x16xf32>,
      %get3A_161 = vector.shape_cast %get3A_160 : vector<1x16xf32> to vector<16xf32>
      %add3A_162 = arith.addf %add3A_156, %get3A_161 : vector<16xf32>
      %get3A_163 = arith.constant 0 : i32
      %get3A_164 = arith.index_cast %get3A_163 : i32 to index
      %get3A_165 = arith.constant 64 : index
      %get3A_166 = tpu.vector_load %arg4[%get3A_164, %get3A_165] {strides = array<i32>} : memref<5x112xf32, #tpu.memory_space<vmem>>, vector<1x16xf32>,
      %get3A_167 = vector.shape_cast %get3A_166 : vector<1x16xf32> to vector<16xf32>
      %add3A_168 = arith.addf %add3A_162, %get3A_167 : vector<16xf32>
      %get3A_169 = arith.constant 0 : i32
      %get3A_170 = arith.index_cast %get3A_169 : i32 to index
      %get3A_171 = arith.constant 80 : index
      %get3A_172 = tpu.vector_load %arg4[%get3A_170, %get3A_171] {strides = array<i32>} : memref<5x112xf32, #tpu.memory_space<vmem>>, vector<1x16xf32>,
      %get3A_173 = vector.shape_cast %get3A_172 : vector<1x16xf32> to vector<16xf32>
      %add3A_174 = arith.addf %add3A_168, %get3A_173 : vector<16xf32>
      %get3A_175 = arith.constant 0 : i32
      %get3A_176 = arith.index_cast %get3A_175 : i32 to index
      %get3A_177 = arith.constant 96 : index
      %get3A_178 = tpu.vector_load %arg4[%get3A_176, %get3A_177] {strides = array<i32>} : memref<5x112xf32, #tpu.memory_space<vmem>>, vector<1x16xf32>,
      %get3A_179 = vector.shape_cast %get3A_178 : vector<1x16xf32> to vector<16xf32>
      %slice3A = vector.extract_strided_slice %add3A_174 {offsets = [0], sizes = [1], strides = [1]} : vector<16xf32> to vector<1xf32>
      %squeeze3A = vector.extract %slice3A[0] : f32 from vector<1xf32>
      %slice3A_180 = vector.extract_strided_slice %add3A_174 {offsets = [1], sizes = [1], strides = [1]} : vector<16xf32> to vector<1xf32>
      %squeeze3A_181 = vector.extract %slice3A_180[0] : f32 from vector<1xf32>
      %add3A_182 = arith.addf %squeeze3A, %squeeze3A_181 : f32
      %slice3A_183 = vector.extract_strided_slice %add3A_174 {offsets = [2], sizes = [1], strides = [1]} : vector<16xf32> to vector<1xf32>
      %squeeze3A_184 = vector.extract %slice3A_183[0] : f32 from vector<1xf32>
      %add3A_185 = arith.addf %add3A_182, %squeeze3A_184 : f32
      %slice3A_186 = vector.extract_strided_slice %add3A_174 {offsets = [3], sizes = [1], strides = [1]} : vector<16xf32> to vector<1xf32>
      %squeeze3A_187 = vector.extract %slice3A_186[0] : f32 from vector<1xf32>
      %add3A_188 = arith.addf %add3A_185, %squeeze3A_187 : f32
      %slice3A_189 = vector.extract_strided_slice %add3A_174 {offsets = [4], sizes = [1], strides = [1]} : vector<16xf32> to vector<1xf32>
      %squeeze3A_190 = vector.extract %slice3A_189[0] : f32 from vector<1xf32>
      %add3A_191 = arith.addf %add3A_188, %squeeze3A_190 : f32
      %slice3A_192 = vector.extract_strided_slice %add3A_174 {offsets = [5], sizes = [1], strides = [1]} : vector<16xf32> to vector<1xf32>
      %squeeze3A_193 = vector.extract %slice3A_192[0] : f32 from vector<1xf32>
      %add3A_194 = arith.addf %add3A_191, %squeeze3A_193 : f32
      %slice3A_195 = vector.extract_strided_slice %add3A_174 {offsets = [6], sizes = [1], strides = [1]} : vector<16xf32> to vector<1xf32>
      %squeeze3A_196 = vector.extract %slice3A_195[0] : f32 from vector<1xf32>
      %add3A_197 = arith.addf %add3A_194, %squeeze3A_196 : f32
      %slice3A_198 = vector.extract_strided_slice %add3A_174 {offsets = [7], sizes = [1], strides = [1]} : vector<16xf32> to vector<1xf32>
      %squeeze3A_199 = vector.extract %slice3A_198[0] : f32 from vector<1xf32>
      %add3A_200 = arith.addf %add3A_197, %squeeze3A_199 : f32
      %slice3A_201 = vector.extract_strided_slice %add3A_174 {offsets = [8], sizes = [1], strides = [1]} : vector<16xf32> to vector<1xf32>
      %squeeze3A_202 = vector.extract %slice3A_201[0] : f32 from vector<1xf32>
      %add3A_203 = arith.addf %add3A_200, %squeeze3A_202 : f32
      %slice3A_204 = vector.extract_strided_slice %add3A_174 {offsets = [9], sizes = [1], strides = [1]} : vector<16xf32> to vector<1xf32>
      %squeeze3A_205 = vector.extract %slice3A_204[0] : f32 from vector<1xf32>
      %add3A_206 = arith.addf %add3A_203, %squeeze3A_205 : f32
      %slice3A_207 = vector.extract_strided_slice %add3A_174 {offsets = [10], sizes = [1], strides = [1]} : vector<16xf32> to vector<1xf32>
      %squeeze3A_208 = vector.extract %slice3A_207[0] : f32 from vector<1xf32>
      %add3A_209 = arith.addf %add3A_206, %squeeze3A_208 : f32
      %slice3A_210 = vector.extract_strided_slice %add3A_174 {offsets = [11], sizes = [1], strides = [1]} : vector<16xf32> to vector<1xf32>
      %squeeze3A_211 = vector.extract %slice3A_210[0] : f32 from vector<1xf32>
      %add3A_212 = arith.addf %add3A_209, %squeeze3A_211 : f32
      %slice3A_213 = vector.extract_strided_slice %add3A_174 {offsets = [12], sizes = [1], strides = [1]} : vector<16xf32> to vector<1xf32>
      %squeeze3A_214 = vector.extract %slice3A_213[0] : f32 from vector<1xf32>
      %add3A_215 = arith.addf %add3A_212, %squeeze3A_214 : f32
      %slice3A_216 = vector.extract_strided_slice %add3A_174 {offsets = [13], sizes = [1], strides = [1]} : vector<16xf32> to vector<1xf32>
      %squeeze3A_217 = vector.extract %slice3A_216[0] : f32 from vector<1xf32>
      %add3A_218 = arith.addf %add3A_215, %squeeze3A_217 : f32
      %slice3A_219 = vector.extract_strided_slice %add3A_174 {offsets = [14], sizes = [1], strides = [1]} : vector<16xf32> to vector<1xf32>
      %squeeze3A_220 = vector.extract %slice3A_219[0] : f32 from vector<1xf32>
      %add3A_221 = arith.addf %add3A_218, %squeeze3A_220 : f32
      %slice3A_222 = vector.extract_strided_slice %add3A_174 {offsets = [15], sizes = [1], strides = [1]} : vector<16xf32> to vector<1xf32>
      %squeeze3A_223 = vector.extract %slice3A_222[0] : f32 from vector<1xf32>
      %add3A_224 = arith.addf %add3A_221, %squeeze3A_223 : f32
      %slice3A_225 = vector.extract_strided_slice %get3A_179 {offsets = [0], sizes = [1], strides = [1]} : vector<16xf32> to vector<1xf32>
      %squeeze3A_226 = vector.extract %slice3A_225[0] : f32 from vector<1xf32>
      %add3A_227 = arith.addf %add3A_224, %squeeze3A_226 : f32
      %slice3A_228 = vector.extract_strided_slice %get3A_179 {offsets = [1], sizes = [1], strides = [1]} : vector<16xf32> to vector<1xf32>
      %squeeze3A_229 = vector.extract %slice3A_228[0] : f32 from vector<1xf32>
      %add3A_230 = arith.addf %add3A_227, %squeeze3A_229 : f32
      %slice3A_231 = vector.extract_strided_slice %get3A_179 {offsets = [2], sizes = [1], strides = [1]} : vector<16xf32> to vector<1xf32>
      %squeeze3A_232 = vector.extract %slice3A_231[0] : f32 from vector<1xf32>
      %add3A_233 = arith.addf %add3A_230, %squeeze3A_232 : f32
      %slice3A_234 = vector.extract_strided_slice %get3A_179 {offsets = [3], sizes = [1], strides = [1]} : vector<16xf32> to vector<1xf32>
      %squeeze3A_235 = vector.extract %slice3A_234[0] : f32 from vector<1xf32>
      %add3A_236 = arith.addf %add3A_233, %squeeze3A_235 : f32
      %eq3A_237 = arith.constant 0 : i32
      %eq3A_238 = vector.broadcast %eq3A_237 : i32 to vector<16xi32>
      %eq3A_239 = arith.cmpi eq, %iota3A, %eq3A_238 : vector<16xi32>
      %mul3A = arith.constant 0.00999999977 : f32
      %mul3A_240 = arith.mulf %add3A_236, %mul3A : f32
      %broadcast_in_dim3A_241 = vector.broadcast %mul3A_240 : f32 to vector<16xf32>
      %select_n3A = arith.select %eq3A_239, %broadcast_in_dim3A_241, %broadcast_in_dim3A_141 : vector<16xi1>, vector<16xf32>
      %get3A_242 = arith.constant 1 : i32
      %get3A_243 = arith.index_cast %get3A_242 : i32 to index
      %get3A_244 = arith.constant 0 : index
      %get3A_245 = tpu.vector_load %arg4[%get3A_243, %get3A_244] {strides = array<i32>} : memref<5x112xf32, #tpu.memory_space<vmem>>, vector<1x16xf32>,
      %get3A_246 = vector.shape_cast %get3A_245 : vector<1x16xf32> to vector<16xf32>
      %get3A_247 = arith.constant 1 : i32
      %get3A_248 = arith.index_cast %get3A_247 : i32 to index
      %get3A_249 = arith.constant 16 : index
      %get3A_250 = tpu.vector_load %arg4[%get3A_248, %get3A_249] {strides = array<i32>} : memref<5x112xf32, #tpu.memory_space<vmem>>, vector<1x16xf32>,
      %get3A_251 = vector.shape_cast %get3A_250 : vector<1x16xf32> to vector<16xf32>
      %add3A_252 = arith.addf %get3A_246, %get3A_251 : vector<16xf32>
      %get3A_253 = arith.constant 1 : i32
      %get3A_254 = arith.index_cast %get3A_253 : i32 to index
      %get3A_255 = arith.constant 32 : index
      %get3A_256 = tpu.vector_load %arg4[%get3A_254, %get3A_255] {strides = array<i32>} : memref<5x112xf32, #tpu.memory_space<vmem>>, vector<1x16xf32>,
      %get3A_257 = vector.shape_cast %get3A_256 : vector<1x16xf32> to vector<16xf32>
      %add3A_258 = arith.addf %add3A_252, %get3A_257 : vector<16xf32>
      %get3A_259 = arith.constant 1 : i32
      %get3A_260 = arith.index_cast %get3A_259 : i32 to index
      %get3A_261 = arith.constant 48 : index
      %get3A_262 = tpu.vector_load %arg4[%get3A_260, %get3A_261] {strides = array<i32>} : memref<5x112xf32, #tpu.memory_space<vmem>>, vector<1x16xf32>,
      %get3A_263 = vector.shape_cast %get3A_262 : vector<1x16xf32> to vector<16xf32>
      %add3A_264 = arith.addf %add3A_258, %get3A_263 : vector<16xf32>
      %get3A_265 = arith.constant 1 : i32
      %get3A_266 = arith.index_cast %get3A_265 : i32 to index
      %get3A_267 = arith.constant 64 : index
      %get3A_268 = tpu.vector_load %arg4[%get3A_266, %get3A_267] {strides = array<i32>} : memref<5x112xf32, #tpu.memory_space<vmem>>, vector<1x16xf32>,
      %get3A_269 = vector.shape_cast %get3A_268 : vector<1x16xf32> to vector<16xf32>
      %add3A_270 = arith.addf %add3A_264, %get3A_269 : vector<16xf32>
      %get3A_271 = arith.constant 1 : i32
      %get3A_272 = arith.index_cast %get3A_271 : i32 to index
      %get3A_273 = arith.constant 80 : index
      %get3A_274 = tpu.vector_load %arg4[%get3A_272, %get3A_273] {strides = array<i32>} : memref<5x112xf32, #tpu.memory_space<vmem>>, vector<1x16xf32>,
      %get3A_275 = vector.shape_cast %get3A_274 : vector<1x16xf32> to vector<16xf32>
      %add3A_276 = arith.addf %add3A_270, %get3A_275 : vector<16xf32>
      %get3A_277 = arith.constant 1 : i32
      %get3A_278 = arith.index_cast %get3A_277 : i32 to index
      %get3A_279 = arith.constant 96 : index
      %get3A_280 = tpu.vector_load %arg4[%get3A_278, %get3A_279] {strides = array<i32>} : memref<5x112xf32, #tpu.memory_space<vmem>>, vector<1x16xf32>,
      %get3A_281 = vector.shape_cast %get3A_280 : vector<1x16xf32> to vector<16xf32>
      %slice3A_282 = vector.extract_strided_slice %add3A_276 {offsets = [0], sizes = [1], strides = [1]} : vector<16xf32> to vector<1xf32>
      %squeeze3A_283 = vector.extract %slice3A_282[0] : f32 from vector<1xf32>
      %slice3A_284 = vector.extract_strided_slice %add3A_276 {offsets = [1], sizes = [1], strides = [1]} : vector<16xf32> to vector<1xf32>
      %squeeze3A_285 = vector.extract %slice3A_284[0] : f32 from vector<1xf32>
      %add3A_286 = arith.addf %squeeze3A_283, %squeeze3A_285 : f32
      %slice3A_287 = vector.extract_strided_slice %add3A_276 {offsets = [2], sizes = [1], strides = [1]} : vector<16xf32> to vector<1xf32>
      %squeeze3A_288 = vector.extract %slice3A_287[0] : f32 from vector<1xf32>
      %add3A_289 = arith.addf %add3A_286, %squeeze3A_288 : f32
      %slice3A_290 = vector.extract_strided_slice %add3A_276 {offsets = [3], sizes = [1], strides = [1]} : vector<16xf32> to vector<1xf32>
      %squeeze3A_291 = vector.extract %slice3A_290[0] : f32 from vector<1xf32>
      %add3A_292 = arith.addf %add3A_289, %squeeze3A_291 : f32
      %slice3A_293 = vector.extract_strided_slice %add3A_276 {offsets = [4], sizes = [1], strides = [1]} : vector<16xf32> to vector<1xf32>
      %squeeze3A_294 = vector.extract %slice3A_293[0] : f32 from vector<1xf32>
      %add3A_295 = arith.addf %add3A_292, %squeeze3A_294 : f32
      %slice3A_296 = vector.extract_strided_slice %add3A_276 {offsets = [5], sizes = [1], strides = [1]} : vector<16xf32> to vector<1xf32>
      %squeeze3A_297 = vector.extract %slice3A_296[0] : f32 from vector<1xf32>
      %add3A_298 = arith.addf %add3A_295, %squeeze3A_297 : f32
      %slice3A_299 = vector.extract_strided_slice %add3A_276 {offsets = [6], sizes = [1], strides = [1]} : vector<16xf32> to vector<1xf32>
      %squeeze3A_300 = vector.extract %slice3A_299[0] : f32 from vector<1xf32>
      %add3A_301 = arith.addf %add3A_298, %squeeze3A_300 : f32
      %slice3A_302 = vector.extract_strided_slice %add3A_276 {offsets = [7], sizes = [1], strides = [1]} : vector<16xf32> to vector<1xf32>
      %squeeze3A_303 = vector.extract %slice3A_302[0] : f32 from vector<1xf32>
      %add3A_304 = arith.addf %add3A_301, %squeeze3A_303 : f32
      %slice3A_305 = vector.extract_strided_slice %add3A_276 {offsets = [8], sizes = [1], strides = [1]} : vector<16xf32> to vector<1xf32>
      %squeeze3A_306 = vector.extract %slice3A_305[0] : f32 from vector<1xf32>
      %add3A_307 = arith.addf %add3A_304, %squeeze3A_306 : f32
      %slice3A_308 = vector.extract_strided_slice %add3A_276 {offsets = [9], sizes = [1], strides = [1]} : vector<16xf32> to vector<1xf32>
      %squeeze3A_309 = vector.extract %slice3A_308[0] : f32 from vector<1xf32>
      %add3A_310 = arith.addf %add3A_307, %squeeze3A_309 : f32
      %slice3A_311 = vector.extract_strided_slice %add3A_276 {offsets = [10], sizes = [1], strides = [1]} : vector<16xf32> to vector<1xf32>
      %squeeze3A_312 = vector.extract %slice3A_311[0] : f32 from vector<1xf32>
      %add3A_313 = arith.addf %add3A_310, %squeeze3A_312 : f32
      %slice3A_314 = vector.extract_strided_slice %add3A_276 {offsets = [11], sizes = [1], strides = [1]} : vector<16xf32> to vector<1xf32>
      %squeeze3A_315 = vector.extract %slice3A_314[0] : f32 from vector<1xf32>
      %add3A_316 = arith.addf %add3A_313, %squeeze3A_315 : f32
      %slice3A_317 = vector.extract_strided_slice %add3A_276 {offsets = [12], sizes = [1], strides = [1]} : vector<16xf32> to vector<1xf32>
      %squeeze3A_318 = vector.extract %slice3A_317[0] : f32 from vector<1xf32>
      %add3A_319 = arith.addf %add3A_316, %squeeze3A_318 : f32
      %slice3A_320 = vector.extract_strided_slice %add3A_276 {offsets = [13], sizes = [1], strides = [1]} : vector<16xf32> to vector<1xf32>
      %squeeze3A_321 = vector.extract %slice3A_320[0] : f32 from vector<1xf32>
      %add3A_322 = arith.addf %add3A_319, %squeeze3A_321 : f32
      %slice3A_323 = vector.extract_strided_slice %add3A_276 {offsets = [14], sizes = [1], strides = [1]} : vector<16xf32> to vector<1xf32>
      %squeeze3A_324 = vector.extract %slice3A_323[0] : f32 from vector<1xf32>
      %add3A_325 = arith.addf %add3A_322, %squeeze3A_324 : f32
      %slice3A_326 = vector.extract_strided_slice %add3A_276 {offsets = [15], sizes = [1], strides = [1]} : vector<16xf32> to vector<1xf32>
      %squeeze3A_327 = vector.extract %slice3A_326[0] : f32 from vector<1xf32>
      %add3A_328 = arith.addf %add3A_325, %squeeze3A_327 : f32
      %slice3A_329 = vector.extract_strided_slice %get3A_281 {offsets = [0], sizes = [1], strides = [1]} : vector<16xf32> to vector<1xf32>
      %squeeze3A_330 = vector.extract %slice3A_329[0] : f32 from vector<1xf32>
      %add3A_331 = arith.addf %add3A_328, %squeeze3A_330 : f32
      %slice3A_332 = vector.extract_strided_slice %get3A_281 {offsets = [1], sizes = [1], strides = [1]} : vector<16xf32> to vector<1xf32>
      %squeeze3A_333 = vector.extract %slice3A_332[0] : f32 from vector<1xf32>
      %add3A_334 = arith.addf %add3A_331, %squeeze3A_333 : f32
      %slice3A_335 = vector.extract_strided_slice %get3A_281 {offsets = [2], sizes = [1], strides = [1]} : vector<16xf32> to vector<1xf32>
      %squeeze3A_336 = vector.extract %slice3A_335[0] : f32 from vector<1xf32>
      %add3A_337 = arith.addf %add3A_334, %squeeze3A_336 : f32
      %slice3A_338 = vector.extract_strided_slice %get3A_281 {offsets = [3], sizes = [1], strides = [1]} : vector<16xf32> to vector<1xf32>
      %squeeze3A_339 = vector.extract %slice3A_338[0] : f32 from vector<1xf32>
      %add3A_340 = arith.addf %add3A_337, %squeeze3A_339 : f32
      %eq3A_341 = arith.constant 1 : i32
      %eq3A_342 = vector.broadcast %eq3A_341 : i32 to vector<16xi32>
      %eq3A_343 = arith.cmpi eq, %iota3A, %eq3A_342 : vector<16xi32>
      %mul3A_344 = arith.constant 0.00999999977 : f32
      %mul3A_345 = arith.mulf %add3A_340, %mul3A_344 : f32
      %broadcast_in_dim3A_346 = vector.broadcast %mul3A_345 : f32 to vector<16xf32>
      %select_n3A_347 = arith.select %eq3A_343, %broadcast_in_dim3A_346, %select_n3A : vector<16xi1>, vector<16xf32>
      %get3A_348 = arith.constant 2 : i32
      %get3A_349 = arith.index_cast %get3A_348 : i32 to index
      %get3A_350 = arith.constant 0 : index
      %get3A_351 = tpu.vector_load %arg4[%get3A_349, %get3A_350] {strides = array<i32>} : memref<5x112xf32, #tpu.memory_space<vmem>>, vector<1x16xf32>,
      %get3A_352 = vector.shape_cast %get3A_351 : vector<1x16xf32> to vector<16xf32>
      %get3A_353 = arith.constant 2 : i32
      %get3A_354 = arith.index_cast %get3A_353 : i32 to index
      %get3A_355 = arith.constant 16 : index
      %get3A_356 = tpu.vector_load %arg4[%get3A_354, %get3A_355] {strides = array<i32>} : memref<5x112xf32, #tpu.memory_space<vmem>>, vector<1x16xf32>,
      %get3A_357 = vector.shape_cast %get3A_356 : vector<1x16xf32> to vector<16xf32>
      %add3A_358 = arith.addf %get3A_352, %get3A_357 : vector<16xf32>
      %get3A_359 = arith.constant 2 : i32
      %get3A_360 = arith.index_cast %get3A_359 : i32 to index
      %get3A_361 = arith.constant 32 : index
      %get3A_362 = tpu.vector_load %arg4[%get3A_360, %get3A_361] {strides = array<i32>} : memref<5x112xf32, #tpu.memory_space<vmem>>, vector<1x16xf32>,
      %get3A_363 = vector.shape_cast %get3A_362 : vector<1x16xf32> to vector<16xf32>
      %add3A_364 = arith.addf %add3A_358, %get3A_363 : vector<16xf32>
      %get3A_365 = arith.constant 2 : i32
      %get3A_366 = arith.index_cast %get3A_365 : i32 to index
      %get3A_367 = arith.constant 48 : index
      %get3A_368 = tpu.vector_load %arg4[%get3A_366, %get3A_367] {strides = array<i32>} : memref<5x112xf32, #tpu.memory_space<vmem>>, vector<1x16xf32>,
      %get3A_369 = vector.shape_cast %get3A_368 : vector<1x16xf32> to vector<16xf32>
      %add3A_370 = arith.addf %add3A_364, %get3A_369 : vector<16xf32>
      %get3A_371 = arith.constant 2 : i32
      %get3A_372 = arith.index_cast %get3A_371 : i32 to index
      %get3A_373 = arith.constant 64 : index
      %get3A_374 = tpu.vector_load %arg4[%get3A_372, %get3A_373] {strides = array<i32>} : memref<5x112xf32, #tpu.memory_space<vmem>>, vector<1x16xf32>,
      %get3A_375 = vector.shape_cast %get3A_374 : vector<1x16xf32> to vector<16xf32>
      %add3A_376 = arith.addf %add3A_370, %get3A_375 : vector<16xf32>
      %get3A_377 = arith.constant 2 : i32
      %get3A_378 = arith.index_cast %get3A_377 : i32 to index
      %get3A_379 = arith.constant 80 : index
      %get3A_380 = tpu.vector_load %arg4[%get3A_378, %get3A_379] {strides = array<i32>} : memref<5x112xf32, #tpu.memory_space<vmem>>, vector<1x16xf32>,
      %get3A_381 = vector.shape_cast %get3A_380 : vector<1x16xf32> to vector<16xf32>
      %add3A_382 = arith.addf %add3A_376, %get3A_381 : vector<16xf32>
      %get3A_383 = arith.constant 2 : i32
      %get3A_384 = arith.index_cast %get3A_383 : i32 to index
      %get3A_385 = arith.constant 96 : index
      %get3A_386 = tpu.vector_load %arg4[%get3A_384, %get3A_385] {strides = array<i32>} : memref<5x112xf32, #tpu.memory_space<vmem>>, vector<1x16xf32>,
      %get3A_387 = vector.shape_cast %get3A_386 : vector<1x16xf32> to vector<16xf32>
      %slice3A_388 = vector.extract_strided_slice %add3A_382 {offsets = [0], sizes = [1], strides = [1]} : vector<16xf32> to vector<1xf32>
      %squeeze3A_389 = vector.extract %slice3A_388[0] : f32 from vector<1xf32>
      %slice3A_390 = vector.extract_strided_slice %add3A_382 {offsets = [1], sizes = [1], strides = [1]} : vector<16xf32> to vector<1xf32>
      %squeeze3A_391 = vector.extract %slice3A_390[0] : f32 from vector<1xf32>
      %add3A_392 = arith.addf %squeeze3A_389, %squeeze3A_391 : f32
      %slice3A_393 = vector.extract_strided_slice %add3A_382 {offsets = [2], sizes = [1], strides = [1]} : vector<16xf32> to vector<1xf32>
      %squeeze3A_394 = vector.extract %slice3A_393[0] : f32 from vector<1xf32>
      %add3A_395 = arith.addf %add3A_392, %squeeze3A_394 : f32
      %slice3A_396 = vector.extract_strided_slice %add3A_382 {offsets = [3], sizes = [1], strides = [1]} : vector<16xf32> to vector<1xf32>
      %squeeze3A_397 = vector.extract %slice3A_396[0] : f32 from vector<1xf32>
      %add3A_398 = arith.addf %add3A_395, %squeeze3A_397 : f32
      %slice3A_399 = vector.extract_strided_slice %add3A_382 {offsets = [4], sizes = [1], strides = [1]} : vector<16xf32> to vector<1xf32>
      %squeeze3A_400 = vector.extract %slice3A_399[0] : f32 from vector<1xf32>
      %add3A_401 = arith.addf %add3A_398, %squeeze3A_400 : f32
      %slice3A_402 = vector.extract_strided_slice %add3A_382 {offsets = [5], sizes = [1], strides = [1]} : vector<16xf32> to vector<1xf32>
      %squeeze3A_403 = vector.extract %slice3A_402[0] : f32 from vector<1xf32>
      %add3A_404 = arith.addf %add3A_401, %squeeze3A_403 : f32
      %slice3A_405 = vector.extract_strided_slice %add3A_382 {offsets = [6], sizes = [1], strides = [1]} : vector<16xf32> to vector<1xf32>
      %squeeze3A_406 = vector.extract %slice3A_405[0] : f32 from vector<1xf32>
      %add3A_407 = arith.addf %add3A_404, %squeeze3A_406 : f32
      %slice3A_408 = vector.extract_strided_slice %add3A_382 {offsets = [7], sizes = [1], strides = [1]} : vector<16xf32> to vector<1xf32>
      %squeeze3A_409 = vector.extract %slice3A_408[0] : f32 from vector<1xf32>
      %add3A_410 = arith.addf %add3A_407, %squeeze3A_409 : f32
      %slice3A_411 = vector.extract_strided_slice %add3A_382 {offsets = [8], sizes = [1], strides = [1]} : vector<16xf32> to vector<1xf32>
      %squeeze3A_412 = vector.extract %slice3A_411[0] : f32 from vector<1xf32>
      %add3A_413 = arith.addf %add3A_410, %squeeze3A_412 : f32
      %slice3A_414 = vector.extract_strided_slice %add3A_382 {offsets = [9], sizes = [1], strides = [1]} : vector<16xf32> to vector<1xf32>
      %squeeze3A_415 = vector.extract %slice3A_414[0] : f32 from vector<1xf32>
      %add3A_416 = arith.addf %add3A_413, %squeeze3A_415 : f32
      %slice3A_417 = vector.extract_strided_slice %add3A_382 {offsets = [10], sizes = [1], strides = [1]} : vector<16xf32> to vector<1xf32>
      %squeeze3A_418 = vector.extract %slice3A_417[0] : f32 from vector<1xf32>
      %add3A_419 = arith.addf %add3A_416, %squeeze3A_418 : f32
      %slice3A_420 = vector.extract_strided_slice %add3A_382 {offsets = [11], sizes = [1], strides = [1]} : vector<16xf32> to vector<1xf32>
      %squeeze3A_421 = vector.extract %slice3A_420[0] : f32 from vector<1xf32>
      %add3A_422 = arith.addf %add3A_419, %squeeze3A_421 : f32
      %slice3A_423 = vector.extract_strided_slice %add3A_382 {offsets = [12], sizes = [1], strides = [1]} : vector<16xf32> to vector<1xf32>
      %squeeze3A_424 = vector.extract %slice3A_423[0] : f32 from vector<1xf32>
      %add3A_425 = arith.addf %add3A_422, %squeeze3A_424 : f32
      %slice3A_426 = vector.extract_strided_slice %add3A_382 {offsets = [13], sizes = [1], strides = [1]} : vector<16xf32> to vector<1xf32>
      %squeeze3A_427 = vector.extract %slice3A_426[0] : f32 from vector<1xf32>
      %add3A_428 = arith.addf %add3A_425, %squeeze3A_427 : f32
      %slice3A_429 = vector.extract_strided_slice %add3A_382 {offsets = [14], sizes = [1], strides = [1]} : vector<16xf32> to vector<1xf32>
      %squeeze3A_430 = vector.extract %slice3A_429[0] : f32 from vector<1xf32>
      %add3A_431 = arith.addf %add3A_428, %squeeze3A_430 : f32
      %slice3A_432 = vector.extract_strided_slice %add3A_382 {offsets = [15], sizes = [1], strides = [1]} : vector<16xf32> to vector<1xf32>
      %squeeze3A_433 = vector.extract %slice3A_432[0] : f32 from vector<1xf32>
      %add3A_434 = arith.addf %add3A_431, %squeeze3A_433 : f32
      %slice3A_435 = vector.extract_strided_slice %get3A_387 {offsets = [0], sizes = [1], strides = [1]} : vector<16xf32> to vector<1xf32>
      %squeeze3A_436 = vector.extract %slice3A_435[0] : f32 from vector<1xf32>
      %add3A_437 = arith.addf %add3A_434, %squeeze3A_436 : f32
      %slice3A_438 = vector.extract_strided_slice %get3A_387 {offsets = [1], sizes = [1], strides = [1]} : vector<16xf32> to vector<1xf32>
      %squeeze3A_439 = vector.extract %slice3A_438[0] : f32 from vector<1xf32>
      %add3A_440 = arith.addf %add3A_437, %squeeze3A_439 : f32
      %slice3A_441 = vector.extract_strided_slice %get3A_387 {offsets = [2], sizes = [1], strides = [1]} : vector<16xf32> to vector<1xf32>
      %squeeze3A_442 = vector.extract %slice3A_441[0] : f32 from vector<1xf32>
      %add3A_443 = arith.addf %add3A_440, %squeeze3A_442 : f32
      %slice3A_444 = vector.extract_strided_slice %get3A_387 {offsets = [3], sizes = [1], strides = [1]} : vector<16xf32> to vector<1xf32>
      %squeeze3A_445 = vector.extract %slice3A_444[0] : f32 from vector<1xf32>
      %add3A_446 = arith.addf %add3A_443, %squeeze3A_445 : f32
      %eq3A_447 = arith.constant 2 : i32
      %eq3A_448 = vector.broadcast %eq3A_447 : i32 to vector<16xi32>
      %eq3A_449 = arith.cmpi eq, %iota3A, %eq3A_448 : vector<16xi32>
      %mul3A_450 = arith.constant 0.00999999977 : f32
      %mul3A_451 = arith.mulf %add3A_446, %mul3A_450 : f32
      %broadcast_in_dim3A_452 = vector.broadcast %mul3A_451 : f32 to vector<16xf32>
      %select_n3A_453 = arith.select %eq3A_449, %broadcast_in_dim3A_452, %select_n3A_347 : vector<16xi1>, vector<16xf32>
      %get3A_454 = arith.constant 3 : i32
      %get3A_455 = arith.index_cast %get3A_454 : i32 to index
      %get3A_456 = arith.constant 0 : index
      %get3A_457 = tpu.vector_load %arg4[%get3A_455, %get3A_456] {strides = array<i32>} : memref<5x112xf32, #tpu.memory_space<vmem>>, vector<1x16xf32>,
      %get3A_458 = vector.shape_cast %get3A_457 : vector<1x16xf32> to vector<16xf32>
      %get3A_459 = arith.constant 3 : i32
      %get3A_460 = arith.index_cast %get3A_459 : i32 to index
      %get3A_461 = arith.constant 16 : index
      %get3A_462 = tpu.vector_load %arg4[%get3A_460, %get3A_461] {strides = array<i32>} : memref<5x112xf32, #tpu.memory_space<vmem>>, vector<1x16xf32>,
      %get3A_463 = vector.shape_cast %get3A_462 : vector<1x16xf32> to vector<16xf32>
      %add3A_464 = arith.addf %get3A_458, %get3A_463 : vector<16xf32>
      %get3A_465 = arith.constant 3 : i32
      %get3A_466 = arith.index_cast %get3A_465 : i32 to index
      %get3A_467 = arith.constant 32 : index
      %get3A_468 = tpu.vector_load %arg4[%get3A_466, %get3A_467] {strides = array<i32>} : memref<5x112xf32, #tpu.memory_space<vmem>>, vector<1x16xf32>,
      %get3A_469 = vector.shape_cast %get3A_468 : vector<1x16xf32> to vector<16xf32>
      %add3A_470 = arith.addf %add3A_464, %get3A_469 : vector<16xf32>
      %get3A_471 = arith.constant 3 : i32
      %get3A_472 = arith.index_cast %get3A_471 : i32 to index
      %get3A_473 = arith.constant 48 : index
      %get3A_474 = tpu.vector_load %arg4[%get3A_472, %get3A_473] {strides = array<i32>} : memref<5x112xf32, #tpu.memory_space<vmem>>, vector<1x16xf32>,
      %get3A_475 = vector.shape_cast %get3A_474 : vector<1x16xf32> to vector<16xf32>
      %add3A_476 = arith.addf %add3A_470, %get3A_475 : vector<16xf32>
      %get3A_477 = arith.constant 3 : i32
      %get3A_478 = arith.index_cast %get3A_477 : i32 to index
      %get3A_479 = arith.constant 64 : index
      %get3A_480 = tpu.vector_load %arg4[%get3A_478, %get3A_479] {strides = array<i32>} : memref<5x112xf32, #tpu.memory_space<vmem>>, vector<1x16xf32>,
      %get3A_481 = vector.shape_cast %get3A_480 : vector<1x16xf32> to vector<16xf32>
      %add3A_482 = arith.addf %add3A_476, %get3A_481 : vector<16xf32>
      %get3A_483 = arith.constant 3 : i32
      %get3A_484 = arith.index_cast %get3A_483 : i32 to index
      %get3A_485 = arith.constant 80 : index
      %get3A_486 = tpu.vector_load %arg4[%get3A_484, %get3A_485] {strides = array<i32>} : memref<5x112xf32, #tpu.memory_space<vmem>>, vector<1x16xf32>,
      %get3A_487 = vector.shape_cast %get3A_486 : vector<1x16xf32> to vector<16xf32>
      %add3A_488 = arith.addf %add3A_482, %get3A_487 : vector<16xf32>
      %get3A_489 = arith.constant 3 : i32
      %get3A_490 = arith.index_cast %get3A_489 : i32 to index
      %get3A_491 = arith.constant 96 : index
      %get3A_492 = tpu.vector_load %arg4[%get3A_490, %get3A_491] {strides = array<i32>} : memref<5x112xf32, #tpu.memory_space<vmem>>, vector<1x16xf32>,
      %get3A_493 = vector.shape_cast %get3A_492 : vector<1x16xf32> to vector<16xf32>
      %slice3A_494 = vector.extract_strided_slice %add3A_488 {offsets = [0], sizes = [1], strides = [1]} : vector<16xf32> to vector<1xf32>
      %squeeze3A_495 = vector.extract %slice3A_494[0] : f32 from vector<1xf32>
      %slice3A_496 = vector.extract_strided_slice %add3A_488 {offsets = [1], sizes = [1], strides = [1]} : vector<16xf32> to vector<1xf32>
      %squeeze3A_497 = vector.extract %slice3A_496[0] : f32 from vector<1xf32>
      %add3A_498 = arith.addf %squeeze3A_495, %squeeze3A_497 : f32
      %slice3A_499 = vector.extract_strided_slice %add3A_488 {offsets = [2], sizes = [1], strides = [1]} : vector<16xf32> to vector<1xf32>
      %squeeze3A_500 = vector.extract %slice3A_499[0] : f32 from vector<1xf32>
      %add3A_501 = arith.addf %add3A_498, %squeeze3A_500 : f32
      %slice3A_502 = vector.extract_strided_slice %add3A_488 {offsets = [3], sizes = [1], strides = [1]} : vector<16xf32> to vector<1xf32>
      %squeeze3A_503 = vector.extract %slice3A_502[0] : f32 from vector<1xf32>
      %add3A_504 = arith.addf %add3A_501, %squeeze3A_503 : f32
      %slice3A_505 = vector.extract_strided_slice %add3A_488 {offsets = [4], sizes = [1], strides = [1]} : vector<16xf32> to vector<1xf32>
      %squeeze3A_506 = vector.extract %slice3A_505[0] : f32 from vector<1xf32>
      %add3A_507 = arith.addf %add3A_504, %squeeze3A_506 : f32
      %slice3A_508 = vector.extract_strided_slice %add3A_488 {offsets = [5], sizes = [1], strides = [1]} : vector<16xf32> to vector<1xf32>
      %squeeze3A_509 = vector.extract %slice3A_508[0] : f32 from vector<1xf32>
      %add3A_510 = arith.addf %add3A_507, %squeeze3A_509 : f32
      %slice3A_511 = vector.extract_strided_slice %add3A_488 {offsets = [6], sizes = [1], strides = [1]} : vector<16xf32> to vector<1xf32>
      %squeeze3A_512 = vector.extract %slice3A_511[0] : f32 from vector<1xf32>
      %add3A_513 = arith.addf %add3A_510, %squeeze3A_512 : f32
      %slice3A_514 = vector.extract_strided_slice %add3A_488 {offsets = [7], sizes = [1], strides = [1]} : vector<16xf32> to vector<1xf32>
      %squeeze3A_515 = vector.extract %slice3A_514[0] : f32 from vector<1xf32>
      %add3A_516 = arith.addf %add3A_513, %squeeze3A_515 : f32
      %slice3A_517 = vector.extract_strided_slice %add3A_488 {offsets = [8], sizes = [1], strides = [1]} : vector<16xf32> to vector<1xf32>
      %squeeze3A_518 = vector.extract %slice3A_517[0] : f32 from vector<1xf32>
      %add3A_519 = arith.addf %add3A_516, %squeeze3A_518 : f32
      %slice3A_520 = vector.extract_strided_slice %add3A_488 {offsets = [9], sizes = [1], strides = [1]} : vector<16xf32> to vector<1xf32>
      %squeeze3A_521 = vector.extract %slice3A_520[0] : f32 from vector<1xf32>
      %add3A_522 = arith.addf %add3A_519, %squeeze3A_521 : f32
      %slice3A_523 = vector.extract_strided_slice %add3A_488 {offsets = [10], sizes = [1], strides = [1]} : vector<16xf32> to vector<1xf32>
      %squeeze3A_524 = vector.extract %slice3A_523[0] : f32 from vector<1xf32>
      %add3A_525 = arith.addf %add3A_522, %squeeze3A_524 : f32
      %slice3A_526 = vector.extract_strided_slice %add3A_488 {offsets = [11], sizes = [1], strides = [1]} : vector<16xf32> to vector<1xf32>
      %squeeze3A_527 = vector.extract %slice3A_526[0] : f32 from vector<1xf32>
      %add3A_528 = arith.addf %add3A_525, %squeeze3A_527 : f32
      %slice3A_529 = vector.extract_strided_slice %add3A_488 {offsets = [12], sizes = [1], strides = [1]} : vector<16xf32> to vector<1xf32>
      %squeeze3A_530 = vector.extract %slice3A_529[0] : f32 from vector<1xf32>
      %add3A_531 = arith.addf %add3A_528, %squeeze3A_530 : f32
      %slice3A_532 = vector.extract_strided_slice %add3A_488 {offsets = [13], sizes = [1], strides = [1]} : vector<16xf32> to vector<1xf32>
      %squeeze3A_533 = vector.extract %slice3A_532[0] : f32 from vector<1xf32>
      %add3A_534 = arith.addf %add3A_531, %squeeze3A_533 : f32
      %slice3A_535 = vector.extract_strided_slice %add3A_488 {offsets = [14], sizes = [1], strides = [1]} : vector<16xf32> to vector<1xf32>
      %squeeze3A_536 = vector.extract %slice3A_535[0] : f32 from vector<1xf32>
      %add3A_537 = arith.addf %add3A_534, %squeeze3A_536 : f32
      %slice3A_538 = vector.extract_strided_slice %add3A_488 {offsets = [15], sizes = [1], strides = [1]} : vector<16xf32> to vector<1xf32>
      %squeeze3A_539 = vector.extract %slice3A_538[0] : f32 from vector<1xf32>
      %add3A_540 = arith.addf %add3A_537, %squeeze3A_539 : f32
      %slice3A_541 = vector.extract_strided_slice %get3A_493 {offsets = [0], sizes = [1], strides = [1]} : vector<16xf32> to vector<1xf32>
      %squeeze3A_542 = vector.extract %slice3A_541[0] : f32 from vector<1xf32>
      %add3A_543 = arith.addf %add3A_540, %squeeze3A_542 : f32
      %slice3A_544 = vector.extract_strided_slice %get3A_493 {offsets = [1], sizes = [1], strides = [1]} : vector<16xf32> to vector<1xf32>
      %squeeze3A_545 = vector.extract %slice3A_544[0] : f32 from vector<1xf32>
      %add3A_546 = arith.addf %add3A_543, %squeeze3A_545 : f32
      %slice3A_547 = vector.extract_strided_slice %get3A_493 {offsets = [2], sizes = [1], strides = [1]} : vector<16xf32> to vector<1xf32>
      %squeeze3A_548 = vector.extract %slice3A_547[0] : f32 from vector<1xf32>
      %add3A_549 = arith.addf %add3A_546, %squeeze3A_548 : f32
      %slice3A_550 = vector.extract_strided_slice %get3A_493 {offsets = [3], sizes = [1], strides = [1]} : vector<16xf32> to vector<1xf32>
      %squeeze3A_551 = vector.extract %slice3A_550[0] : f32 from vector<1xf32>
      %add3A_552 = arith.addf %add3A_549, %squeeze3A_551 : f32
      %eq3A_553 = arith.constant 3 : i32
      %eq3A_554 = vector.broadcast %eq3A_553 : i32 to vector<16xi32>
      %eq3A_555 = arith.cmpi eq, %iota3A, %eq3A_554 : vector<16xi32>
      %mul3A_556 = arith.constant 0.00999999977 : f32
      %mul3A_557 = arith.mulf %add3A_552, %mul3A_556 : f32
      %broadcast_in_dim3A_558 = vector.broadcast %mul3A_557 : f32 to vector<16xf32>
      %select_n3A_559 = arith.select %eq3A_555, %broadcast_in_dim3A_558, %select_n3A_453 : vector<16xi1>, vector<16xf32>
      %get3A_560 = arith.constant 4 : i32
      %get3A_561 = arith.index_cast %get3A_560 : i32 to index
      %get3A_562 = arith.constant 0 : index
      %get3A_563 = tpu.vector_load %arg4[%get3A_561, %get3A_562] {strides = array<i32>} : memref<5x112xf32, #tpu.memory_space<vmem>>, vector<1x16xf32>,
      %get3A_564 = vector.shape_cast %get3A_563 : vector<1x16xf32> to vector<16xf32>
      %get3A_565 = arith.constant 4 : i32
      %get3A_566 = arith.index_cast %get3A_565 : i32 to index
      %get3A_567 = arith.constant 16 : index
      %get3A_568 = tpu.vector_load %arg4[%get3A_566, %get3A_567] {strides = array<i32>} : memref<5x112xf32, #tpu.memory_space<vmem>>, vector<1x16xf32>,
      %get3A_569 = vector.shape_cast %get3A_568 : vector<1x16xf32> to vector<16xf32>
      %add3A_570 = arith.addf %get3A_564, %get3A_569 : vector<16xf32>
      %get3A_571 = arith.constant 4 : i32
      %get3A_572 = arith.index_cast %get3A_571 : i32 to index
      %get3A_573 = arith.constant 32 : index
      %get3A_574 = tpu.vector_load %arg4[%get3A_572, %get3A_573] {strides = array<i32>} : memref<5x112xf32, #tpu.memory_space<vmem>>, vector<1x16xf32>,
      %get3A_575 = vector.shape_cast %get3A_574 : vector<1x16xf32> to vector<16xf32>
      %add3A_576 = arith.addf %add3A_570, %get3A_575 : vector<16xf32>
      %get3A_577 = arith.constant 4 : i32
      %get3A_578 = arith.index_cast %get3A_577 : i32 to index
      %get3A_579 = arith.constant 48 : index
      %get3A_580 = tpu.vector_load %arg4[%get3A_578, %get3A_579] {strides = array<i32>} : memref<5x112xf32, #tpu.memory_space<vmem>>, vector<1x16xf32>,
      %get3A_581 = vector.shape_cast %get3A_580 : vector<1x16xf32> to vector<16xf32>
      %add3A_582 = arith.addf %add3A_576, %get3A_581 : vector<16xf32>
      %get3A_583 = arith.constant 4 : i32
      %get3A_584 = arith.index_cast %get3A_583 : i32 to index
      %get3A_585 = arith.constant 64 : index
      %get3A_586 = tpu.vector_load %arg4[%get3A_584, %get3A_585] {strides = array<i32>} : memref<5x112xf32, #tpu.memory_space<vmem>>, vector<1x16xf32>,
      %get3A_587 = vector.shape_cast %get3A_586 : vector<1x16xf32> to vector<16xf32>
      %add3A_588 = arith.addf %add3A_582, %get3A_587 : vector<16xf32>
      %get3A_589 = arith.constant 4 : i32
      %get3A_590 = arith.index_cast %get3A_589 : i32 to index
      %get3A_591 = arith.constant 80 : index
      %get3A_592 = tpu.vector_load %arg4[%get3A_590, %get3A_591] {strides = array<i32>} : memref<5x112xf32, #tpu.memory_space<vmem>>, vector<1x16xf32>,
      %get3A_593 = vector.shape_cast %get3A_592 : vector<1x16xf32> to vector<16xf32>
      %add3A_594 = arith.addf %add3A_588, %get3A_593 : vector<16xf32>
      %get3A_595 = arith.constant 4 : i32
      %get3A_596 = arith.index_cast %get3A_595 : i32 to index
      %get3A_597 = arith.constant 96 : index
      %get3A_598 = tpu.vector_load %arg4[%get3A_596, %get3A_597] {strides = array<i32>} : memref<5x112xf32, #tpu.memory_space<vmem>>, vector<1x16xf32>,
      %get3A_599 = vector.shape_cast %get3A_598 : vector<1x16xf32> to vector<16xf32>
      %slice3A_600 = vector.extract_strided_slice %add3A_594 {offsets = [0], sizes = [1], strides = [1]} : vector<16xf32> to vector<1xf32>
      %squeeze3A_601 = vector.extract %slice3A_600[0] : f32 from vector<1xf32>
      %slice3A_602 = vector.extract_strided_slice %add3A_594 {offsets = [1], sizes = [1], strides = [1]} : vector<16xf32> to vector<1xf32>
      %squeeze3A_603 = vector.extract %slice3A_602[0] : f32 from vector<1xf32>
      %add3A_604 = arith.addf %squeeze3A_601, %squeeze3A_603 : f32
      %slice3A_605 = vector.extract_strided_slice %add3A_594 {offsets = [2], sizes = [1], strides = [1]} : vector<16xf32> to vector<1xf32>
      %squeeze3A_606 = vector.extract %slice3A_605[0] : f32 from vector<1xf32>
      %add3A_607 = arith.addf %add3A_604, %squeeze3A_606 : f32
      %slice3A_608 = vector.extract_strided_slice %add3A_594 {offsets = [3], sizes = [1], strides = [1]} : vector<16xf32> to vector<1xf32>
      %squeeze3A_609 = vector.extract %slice3A_608[0] : f32 from vector<1xf32>
      %add3A_610 = arith.addf %add3A_607, %squeeze3A_609 : f32
      %slice3A_611 = vector.extract_strided_slice %add3A_594 {offsets = [4], sizes = [1], strides = [1]} : vector<16xf32> to vector<1xf32>
      %squeeze3A_612 = vector.extract %slice3A_611[0] : f32 from vector<1xf32>
      %add3A_613 = arith.addf %add3A_610, %squeeze3A_612 : f32
      %slice3A_614 = vector.extract_strided_slice %add3A_594 {offsets = [5], sizes = [1], strides = [1]} : vector<16xf32> to vector<1xf32>
      %squeeze3A_615 = vector.extract %slice3A_614[0] : f32 from vector<1xf32>
      %add3A_616 = arith.addf %add3A_613, %squeeze3A_615 : f32
      %slice3A_617 = vector.extract_strided_slice %add3A_594 {offsets = [6], sizes = [1], strides = [1]} : vector<16xf32> to vector<1xf32>
      %squeeze3A_618 = vector.extract %slice3A_617[0] : f32 from vector<1xf32>
      %add3A_619 = arith.addf %add3A_616, %squeeze3A_618 : f32
      %slice3A_620 = vector.extract_strided_slice %add3A_594 {offsets = [7], sizes = [1], strides = [1]} : vector<16xf32> to vector<1xf32>
      %squeeze3A_621 = vector.extract %slice3A_620[0] : f32 from vector<1xf32>
      %add3A_622 = arith.addf %add3A_619, %squeeze3A_621 : f32
      %slice3A_623 = vector.extract_strided_slice %add3A_594 {offsets = [8], sizes = [1], strides = [1]} : vector<16xf32> to vector<1xf32>
      %squeeze3A_624 = vector.extract %slice3A_623[0] : f32 from vector<1xf32>
      %add3A_625 = arith.addf %add3A_622, %squeeze3A_624 : f32
      %slice3A_626 = vector.extract_strided_slice %add3A_594 {offsets = [9], sizes = [1], strides = [1]} : vector<16xf32> to vector<1xf32>
      %squeeze3A_627 = vector.extract %slice3A_626[0] : f32 from vector<1xf32>
      %add3A_628 = arith.addf %add3A_625, %squeeze3A_627 : f32
      %slice3A_629 = vector.extract_strided_slice %add3A_594 {offsets = [10], sizes = [1], strides = [1]} : vector<16xf32> to vector<1xf32>
      %squeeze3A_630 = vector.extract %slice3A_629[0] : f32 from vector<1xf32>
      %add3A_631 = arith.addf %add3A_628, %squeeze3A_630 : f32
      %slice3A_632 = vector.extract_strided_slice %add3A_594 {offsets = [11], sizes = [1], strides = [1]} : vector<16xf32> to vector<1xf32>
      %squeeze3A_633 = vector.extract %slice3A_632[0] : f32 from vector<1xf32>
      %add3A_634 = arith.addf %add3A_631, %squeeze3A_633 : f32
      %slice3A_635 = vector.extract_strided_slice %add3A_594 {offsets = [12], sizes = [1], strides = [1]} : vector<16xf32> to vector<1xf32>
      %squeeze3A_636 = vector.extract %slice3A_635[0] : f32 from vector<1xf32>
      %add3A_637 = arith.addf %add3A_634, %squeeze3A_636 : f32
      %slice3A_638 = vector.extract_strided_slice %add3A_594 {offsets = [13], sizes = [1], strides = [1]} : vector<16xf32> to vector<1xf32>
      %squeeze3A_639 = vector.extract %slice3A_638[0] : f32 from vector<1xf32>
      %add3A_640 = arith.addf %add3A_637, %squeeze3A_639 : f32
      %slice3A_641 = vector.extract_strided_slice %add3A_594 {offsets = [14], sizes = [1], strides = [1]} : vector<16xf32> to vector<1xf32>
      %squeeze3A_642 = vector.extract %slice3A_641[0] : f32 from vector<1xf32>
      %add3A_643 = arith.addf %add3A_640, %squeeze3A_642 : f32
      %slice3A_644 = vector.extract_strided_slice %add3A_594 {offsets = [15], sizes = [1], strides = [1]} : vector<16xf32> to vector<1xf32>
      %squeeze3A_645 = vector.extract %slice3A_644[0] : f32 from vector<1xf32>
      %add3A_646 = arith.addf %add3A_643, %squeeze3A_645 : f32
      %slice3A_647 = vector.extract_strided_slice %get3A_599 {offsets = [0], sizes = [1], strides = [1]} : vector<16xf32> to vector<1xf32>
      %squeeze3A_648 = vector.extract %slice3A_647[0] : f32 from vector<1xf32>
      %add3A_649 = arith.addf %add3A_646, %squeeze3A_648 : f32
      %slice3A_650 = vector.extract_strided_slice %get3A_599 {offsets = [1], sizes = [1], strides = [1]} : vector<16xf32> to vector<1xf32>
      %squeeze3A_651 = vector.extract %slice3A_650[0] : f32 from vector<1xf32>
      %add3A_652 = arith.addf %add3A_649, %squeeze3A_651 : f32
      %slice3A_653 = vector.extract_strided_slice %get3A_599 {offsets = [2], sizes = [1], strides = [1]} : vector<16xf32> to vector<1xf32>
      %squeeze3A_654 = vector.extract %slice3A_653[0] : f32 from vector<1xf32>
      %add3A_655 = arith.addf %add3A_652, %squeeze3A_654 : f32
      %slice3A_656 = vector.extract_strided_slice %get3A_599 {offsets = [3], sizes = [1], strides = [1]} : vector<16xf32> to vector<1xf32>
      %squeeze3A_657 = vector.extract %slice3A_656[0] : f32 from vector<1xf32>
      %add3A_658 = arith.addf %add3A_655, %squeeze3A_657 : f32
      %eq3A_659 = arith.constant 4 : i32
      %eq3A_660 = vector.broadcast %eq3A_659 : i32 to vector<16xi32>
      %eq3A_661 = arith.cmpi eq, %iota3A, %eq3A_660 : vector<16xi32>
      %mul3A_662 = arith.constant 0.00999999977 : f32
      %mul3A_663 = arith.mulf %add3A_658, %mul3A_662 : f32
      %broadcast_in_dim3A_664 = vector.broadcast %mul3A_663 : f32 to vector<16xf32>
      %select_n3A_665 = arith.select %eq3A_661, %broadcast_in_dim3A_664, %select_n3A_559 : vector<16xi1>, vector<16xf32>
      %swap3A = arith.constant 0 : index
      %swap3A_666 = tpu.vector_load %arg5[%swap3A] {strides = array<i32>} : memref<16xf32, #tpu.memory_space<vmem>>, vector<16xf32>,
      %swap3A_667 = vector.shape_cast %swap3A_666 : vector<16xf32> to vector<16xf32>
      %swap3A_668 = vector.shape_cast %select_n3A_665 : vector<16xf32> to vector<16xf32>
      tpu.vector_store %arg5[%swap3A], %swap3A_668 {strides = array<i32>} : memref<16xf32, #tpu.memory_space<vmem>>, vector<16xf32>,
      "tpu.region"() ({
        %run_scoped3A = tpu.sem_alloc : memref<!tpu.dma_semaphore, #tpu.memory_space<semaphore_mem>>
        %dma_start3A_669 = arith.constant 0 : i32
        %dma_start3A_670 = tpu.memref_slice %arg3[%arg1, %dma_start3A_669] : memref<8x16xf32, #tpu.memory_space<hbm>> -> memref<1x16xf32, #tpu.memory_space<hbm>>
        %dma_start3A_671 = tpu.memref_squeeze %dma_start3A_670 : memref<1x16xf32, #tpu.memory_space<hbm>> -> memref<16xf32, #tpu.memory_space<hbm>>
        %dma_start3A_672 = arith.constant 0 : i32
        %dma_start3A_673 = tpu.memref_slice %arg3[%arg1, %dma_start3A_672] : memref<8x16xf32, #tpu.memory_space<hbm>> -> memref<1x16xf32, #tpu.memory_space<hbm>>
        %dma_start3A_674 = tpu.memref_squeeze %dma_start3A_673 : memref<1x16xf32, #tpu.memory_space<hbm>> -> memref<16xf32, #tpu.memory_space<hbm>>
        tpu.enqueue_dma source(%arg5 : memref<16xf32, #tpu.memory_space<vmem>>) target(%dma_start3A_674 : memref<16xf32, #tpu.memory_space<hbm>>) target_semaphore(%run_scoped3A : memref<!tpu.dma_semaphore, #tpu.memory_space<semaphore_mem>>)
        %dma_wait3A_675 = arith.constant 0 : i32
        %dma_wait3A_676 = tpu.memref_slice %arg3[%arg1, %dma_wait3A_675] : memref<8x16xf32, #tpu.memory_space<hbm>> -> memref<1x16xf32, #tpu.memory_space<hbm>>
        %dma_wait3A_677 = tpu.memref_squeeze %dma_wait3A_676 : memref<1x16xf32, #tpu.memory_space<hbm>> -> memref<16xf32, #tpu.memory_space<hbm>>
        %dma_wait3A_678 = arith.constant 0 : i32
        %dma_wait3A_679 = tpu.memref_slice %arg3[%arg1, %dma_wait3A_678] : memref<8x16xf32, #tpu.memory_space<hbm>> -> memref<1x16xf32, #tpu.memory_space<hbm>>
        %dma_wait3A_680 = tpu.memref_squeeze %dma_wait3A_679 : memref<1x16xf32, #tpu.memory_space<hbm>> -> memref<16xf32, #tpu.memory_space<hbm>>
        tpu.wait_dma2 semaphore(%run_scoped3A : memref<!tpu.dma_semaphore, #tpu.memory_space<semaphore_mem>>) src(%arg5 : memref<16xf32, #tpu.memory_space<vmem>>) dst(%dma_wait3A_680 : memref<16xf32, #tpu.memory_space<hbm>>)
        tpu.yield
      }) : () -> ()
    } else {
    }
    return
  }
}

</mosaic_0001>

<sc_bundles>
// kernel: kernel.3.cloned.1.call-start
scs
__scs_entry_jumppad:
0x0: {  	(pc) =	sbr.rel $0x88, $3  }
0x1: {  	(tag) =	ssettag $0x0;
	lr =	simm.s32 $0x1  }
0x2: {  	[smem:$0x3FA0] =	sst lr;
	_ =	strace $0xD0000000  }
0x3: {  	_ = 	snop  }
0x4: {  	_ = 	snop  }
0x5: {  	_ = 	snop  }
0x6: {  	_ = 	snop  }
0x7: {  	_ = 	snop  }
__scs_overlays_trampoline_lowered:
0x8: {  	[smem:$0x3FAF] =	sst s0  }
0x9: {  	[smem:$0x3FB0] =	sst s1  }
0xa: {  	[smem:$0x3FB1] =	sst s2  }
0xb: {  	[smem:$0x3FB2] =	sst s3  }
0xc: {  	[smem:$0x3FB3] =	sst s4  }
0xd: {  	[smem:$0x3FB4] =	sst s5  }
0xe: {  	[smem:$0x3FB5] =	sst s6  }
0xf: {  	[smem:$0x3FB6] =	sst s7  }
0x10: {  	[smem:$0x3FB7] =	sst s8  }
0x11: {  	[smem:$0x3FB8] =	sst s9;
	s0 =	simm.s32 @!p0 $0x0  }
0x12: {  	s1 =	sld [smem:$0x3F9E];
	s0 =	simm.s32 @p0 $0x1  }
0x13: {  	[smem:$0x3FB9] =	sst s0;
	s0 =	simm.s32 @!p1 $0x0  }
0x14: {  	s2 =	sld [smem:$0x3F9D];
	s0 =	simm.s32 @p1 $0x1  }
0x15: {  	[smem:$0x3FBA] =	sst s0;
	s0 =	simm.s32 @!p2 $0x0  }
0x16: {  	s3 =	sld [smem:$0x3FDB];
	s0 =	simm.s32 @p2 $0x1  }
0x17: {  	s4 =	simm.s32 $0x1BF5;
	[smem:$0x3FBC] =	sst s0  }
0x18: {  	s0 =	sld [smem:$0x3F9F];
	_ =	swait.ge [sflag:s4], $0x0  }
0x19: {  	s7 =	sld [smem:$0x3FA0]  }
0x1a: {  	s8 =	sadd.s32 $0xFFFFE003, lr  }
0x1b: {  	s9 =	sadd.s32 $0xFFFFFEF7, lr;
	s5 =	simm.s32 $0xFFFFFFFF;
	p2 =	slt.u32 s8, $0xFFFFF086  }
0x1c: {  	p1 =	slt.u32 s9, $0xF7A;
	s5 =	simm.s32 @!p2 $0x0  }
0x1d: {  	s5 =	simm.s32 @p1 $0x1;
	p0 =	seq.s32 s7, s2  }
0x1e: {  	s7 =	smul.u32 @!p0 $0xF7A, s2;
	p2 =	seq.s32 @!p0 s5, $0x0  }
0x1f: {  	s9 =	smul.u32 $0xF7A, s1;
	s8 =	simm.s32 @!p0 $0x1BF5;
	p2 =	por !p2, p0  }
0x20: {  	[sflag:s8] =	ssyncset.s32 @!p0 $0xFFFFF086;
	s6 =	sadd.s32 @!p0 s3, s7;
	s7 =	simm.s32 @!p0 $0x108  }
0x21: {  	s3 =	sadd.s32 s3, s9;
	s6 =	sadd.s32 @!p0 $0x88, s6;
	s7 =	simm.s32 @p2 $0x1082  }
0x22: {  	[simem:s7], [sflag:s8] =	dma.local @!p0 [hbm:s6], $0xF7A  }
0x23: {  	s9 =	sor.u32 $0xD0000000, s2;
	s6 =	simm.s32 $0x108;
	_ =	swait.ge @!p0 [sflag:s8], $0x0  }
0x24: {  	s3 =	sadd.s32 $0x88, s3;
	s6 =	simm.s32 @!p1 $0x1082;
	[sflag:s4] =	ssyncset.s32 $0xFFFFF086  }
0x25: {  	[simem:s6], [sflag:s4] =	dma.local [hbm:s3], $0xF7A  }
0x26: {  	[smem:$0x3FA0] =	sst s1;
	(tag) =	ssettag s2;
	_ =	strace s9  }
0x27: {  	s1 =	sld [smem:$0x3FB0]  }
0x28: {  	s2 =	sld [smem:$0x3FB1]  }
0x29: {  	s4 =	sld [smem:$0x3FB3]  }
0x2a: {  	p0 =	seq.s32 s5, $0x0;
	s5 =	sld [smem:$0x3FB4]  }
0x2b: {  	s6 =	sld [smem:$0x3FB5]  }
0x2c: {  	s7 =	sld [smem:$0x3FB6]  }
0x2d: {  	s3 =	simm.s32 $0x108;
	s8 =	sld [smem:$0x3FB7]  }
0x2e: {  	s3 =	simm.s32 @!p0 $0x1082;
	s9 =	sld [smem:$0x3FB8]  }
0x2f: {  	lr =	sadd.s32 s0, s3;
	s0 =	sld [smem:$0x3FAF]  }
0x30: {  	s3 =	sld [smem:$0x3FB2]  }
0x31: {  	[smem:$0x3FBB] =	sst s10  }
0x32: {  	s10 =	sld [smem:$0x3FB9];
	_ =	sdelay $0x3  }
0x33: {  	p0 =	seq.s32 s10, $0x1;
	s10 =	sld [smem:$0x3FBB];
	_ =	sdelay $0x3  }
0x34: {  	[smem:$0x3FBB] =	sst s10  }
0x35: {  	s10 =	sld [smem:$0x3FBA];
	_ =	sdelay $0x3  }
0x36: {  	p1 =	seq.s32 s10, $0x1;
	s10 =	sld [smem:$0x3FBB];
	_ =	sdelay $0x3  }
0x37: {  	[smem:$0x3FBB] =	sst s10  }
0x38: {  	s10 =	sld [smem:$0x3FBC]  }
0x39: {  	_ = 	snop;
	(pc) =	sbr.ind lr, $3  }
0x3a: {  	_ = 	snop  }
0x3b: {  	_ = 	snop  }
0x3c: {  	p2 =	seq.s32 s10, $0x1;
	s10 =	sld [smem:$0x3FBB]  }
0x3d: {  	_ =	shalt  }
0x3e: {  	_ =	shalt  }
0x3f: {  	_ =	shalt  }
0x40: {  	_ =	shalt  }
0x41: {  	_ =	shalt  }
0x42: {  	_ =	shalt  }
0x43: {  	_ =	shalt  }
0x44: {  	_ =	shalt  }
0x45: {  	_ =	shalt  }
0x46: {  	_ =	shalt  }
0x47: {  	_ =	shalt  }
0x48: {  	_ =	shalt  }
0x49: {  	_ =	shalt  }
0x4a: {  	_ =	shalt  }
0x4b: {  	_ =	shalt  }
0x4c: {  	_ =	shalt  }
0x4d: {  	_ =	shalt  }
0x4e: {  	_ =	shalt  }
0x4f: {  	_ =	shalt  }
0x50: {  	_ =	shalt  }
0x51: {  	_ =	shalt  }
0x52: {  	_ =	shalt  }
0x53: {  	_ =	shalt  }
0x54: {  	_ =	shalt  }
0x55: {  	_ =	shalt  }
0x56: {  	_ =	shalt  }
0x57: {  	_ =	shalt  }
0x58: {  	_ =	shalt  }
0x59: {  	_ =	shalt  }
0x5a: {  	_ =	shalt  }
0x5b: {  	_ =	shalt  }
0x5c: {  	_ =	shalt  }
0x5d: {  	_ =	shalt  }
0x5e: {  	_ =	shalt  }
0x5f: {  	_ =	shalt  }
0x60: {  	_ =	shalt  }
0x61: {  	_ =	shalt  }
0x62: {  	_ =	shalt  }
0x63: {  	_ =	shalt  }
0x64: {  	_ =	shalt  }
0x65: {  	_ =	shalt  }
0x66: {  	_ =	shalt  }
0x67: {  	_ =	shalt  }
0x68: {  	_ =	shalt  }
0x69: {  	_ =	shalt  }
0x6a: {  	_ =	shalt  }
0x6b: {  	_ =	shalt  }
0x6c: {  	_ =	shalt  }
0x6d: {  	_ =	shalt  }
0x6e: {  	_ =	shalt  }
0x6f: {  	_ =	shalt  }
0x70: {  	_ =	shalt  }
0x71: {  	_ =	shalt  }
0x72: {  	_ =	shalt  }
0x73: {  	_ =	shalt  }
0x74: {  	_ =	shalt  }
0x75: {  	_ =	shalt  }
0x76: {  	_ =	shalt  }
0x77: {  	_ =	shalt  }
0x78: {  	_ =	shalt  }
0x79: {  	_ =	shalt  }
0x7a: {  	_ =	shalt  }
0x7b: {  	_ =	shalt  }
0x7c: {  	_ =	shalt  }
0x7d: {  	_ =	shalt  }
0x7e: {  	_ =	shalt  }
0x7f: {  	_ =	shalt  }
0x80: {  	_ =	shalt  }
0x81: {  	_ =	shalt  }
0x82: {  	_ =	shalt  }
0x83: {  	_ =	shalt  }
0x84: {  	_ =	shalt  }
0x85: {  	_ =	shalt  }
0x86: {  	_ =	shalt  }
0x87: {  	_ =	shalt  }
.Lfunc_end0:
.L_simem_size_0:
called_computation_lowered:
.L_overlay_start_0:
0x88: {  	s2 =	sld [smem:$0x3FD9]  }
0x89: {  	s3 =	sld [smem:$0x3FFE];
	_ =	sdelay $0x1  }
0x8a: {  	s1 =	srdreg.scid  }
0x8b: {  	s0 =	sand.u32 $0x1, s1  }
0x8c: {  	s18 =	sshll.u32 s0, $0xA;
	s2 =	sadd.s32 s3, s2  }
0x8d: {  	s2 =	sadd.s32 s2, s18  }
0x8e: {  	[smem:$0x3FC7] =	sst s2  }
0x8f: {  	_ = 	snop  }
0x90: {  	s2 =	sld [smem:$0x3FC9]  }
0x91: {  	s19 =	sld [smem:$0x3FD0];
	(tm) =	ssettm $0x1  }
0x92: {  	s4 =	sld [smem:$0x3FFB];
	_ =	sdelay $0x3  }
0x93: {  	_ =	strace s4  }
0x94: {  	s4 =	sld [smem:$0x3FFC];
	_ =	sdelay $0x3  }
0x95: {  	_ =	strace s4  }
0x96: {  	s4 =	sld [smem:$0x3FFD];
	_ =	sdelay $0x3  }
0x97: {  	_ =	strace s4  }
0x98: {  	_ =	strace $0x8FFFFFFF  }
0x99: {  	s20 =	sld [smem:$0x3FDB];
	_ =	sdelay $0x1  }
0x9a: {  	s5 =	simm.s32 $_scs_section_size  }
0x9b: {  	s6 =	simm.s32 $_size__tile_overlayer_lowered;
	s7 =	simm.s32 $_tile_overlayer_lowered  }
0x9c: {  	s23 =	simm.s32 $0x1BFF;
	s22 =	sshll.u32 s7, $0x1;
	s4 =	sadd.s32 s5, s20  }
0x9d: {  	s8 =	simm.s32 $0x0;
	s21 =	sshll.u32 s6, $0x1;
	s6 =	sadd.s32 s22, s4  }
0x9e: {  	[timem:s8], [sflag:s23] =	dma.local [hbm:s6], s21  }
0x9f: {  	_ =	swait.ge [sflag:s23], s21  }
0xa0: {  	s5 =	ssub.s32 $0x0, s21;
	[sflag:s23] =	ssyncset.done $0x0  }
0xa1: {  	[sflag:s23] =	ssyncadd.s32 s5;
	_ =	sdelay $0x1  }
0xa2: {  	s24 =	simm.s32 $0x1B8B  }
0xa3: {  	_ =	swait.ge [sflag:s24], $0x1  }
0xa4: {  	[sflag:s24] =	ssyncset.done $0x0  }
0xa5: {  	s25 =	simm.s32 $0x1B8E;
	[sflag:s24] =	ssyncadd.s32 $0xFFFFFFFF  }
0xa6: {  	s26 =	simm.s32 $execute0_lowered;
	[smem:$0x3FD2] =	sst s25  }
0xa7: {  	s5 =	sshll.u32 s26, $0x1;
	_ =	strace $0x80000046;
	[dreg:$0x1] =	wrdreg $0xFFFFFFFF  }
0xa8: {  	s28 =	simm.s32 $_size_execute0_lowered;
	s4 =	sadd.s32 s4, s5;
	[dreg:$0x0] =	wrdreg $0x0  }
0xa9: {  	s5 =	sshll.u32 s28, $0x1;
	[dreg:$0x2] =	wrdreg s4  }
0xaa: {  	[dreg:$0x3] =	wrdreg s5  }
0xab: {  	[dreg:$0x4] =	wrdreg $0xC0  }
0xac: {  	_ =	task [dreg:s8], $0x5FFFF  }
0xad: {  	[dreg:$0x1] =	wrdreg $0xFFFFFFFF  }
0xae: {  	[dreg:$0x0] =	wrdreg $0x60  }
0xaf: {  	[dreg:$0x2] =	wrdreg s2  }
0xb0: {  	[dreg:$0x3] =	wrdreg s19  }
0xb1: {  	[dreg:$0x4] =	wrdreg $0x9  }
0xb2: {  	_ =	task.clear_ibuf [dreg:s8], $0x5FFFF;
	_ =	strace $0x90000046  }
0xb3: {  	s29 =	simm.s32 $0x9;
	_ =	strace $0x80000048  }
0xb4: {  	_ =	swait.ge [sflag:s29], $0x1  }
0xb5: {  	[sflag:s29] =	ssyncadd.s32 $0xFFFFFFFF  }
0xb6: {  	_ =	strace $0x90000048  }
0xb7: {  	_ =	sfence  }
0xb8: {  	s30 =	sld [smem:$0x0];
	_ =	sdelay $0x2  }
0xb9: {  	s31 =	sshll.u32 s1, $0xD;
	s1 =	sshrl.u32 s1, $0x2  }
0xba: {  	s3 =	sand.u32 $0x4000, s31;
	s1 =	sadd.s32 s1, s30  }
0xbb: {  	s0 =	sor.u32 s3, s0;
	s1 =	sshll.u32 s1, $0x11  }
0xbc: {  	s0 =	sor.u32 s1, s0  }
0xbd: {  	s0 =	sadd.s32 $0x8F2B, s0  }
0xbe: {  	[sflag:s0] =	ssyncadd.remote.s32 $0x1  }
0xbf: {  	_ =	sfence.sel $0xFFFF  }
0xc0: {  	[dreg:$0x0] =	wrdreg $0xFFFFFFFF;
	(pc) =	sbr.abs _section_cstart, $3  }
0xc1: {  	[dreg:$0x1] =	wrdreg $0xFFFFFFFF  }
0xc2: {  	_ =	task.clear_ibuf [dreg:s8], $0x2FFFF;
	_ =	strace $0x9FFFFFFF  }
0xc3: {  	(tm) =	ssettm $0x7FFFFFFF  }
tec
execute0_lowered:
.L_overlay_start_1:
0x0: {  	(tag) =	ssettag $0x1  }
0x1: {  	s0 =	srdreg.scid  }
0x2: {  	s0 =	sand.u32 $0x1, s0  }
0x3: {  	s6 =	stileid.u32;
	p0 =	seq.s32 s0, $0x1  }
0x4: {  	p1 =	sgt.u32 @!p0 s6, $0x7  }
0x5: {  	p0 =	por p0, p1  }
.Ltmp0:
0x6: {  	_ = 	snop;
	(pc) =	sbr.rel @p0 .LBB2_2-.Ltmp0, $4  }
0x7: {  	s4 =	rddreg [dreg:$0x0]  }
0x8: {  	s2 =	rddreg [dreg:$0x1];
	s3 =	simm.s32 $0x0  }
0x9: {  	[smem:$0x7FF] =	sst s3  }
0xa: {  	s1 =	rddreg [dreg:$0x2];
	_ =	strace $0x80000047  }
0xb: {  	s5 =	smul.u32 $0x28000, s6;
	_ =	sdelay $0x1  }
0xc: {  	s4 =	sadd.s32 s4, s5  }
0xd: {  	[tilespmem:s3], [sflag:$0x1] =	stream.linear.gather [hbm4b:s4+s3], $0x70, $0x38;
	[tilespmem:$0x480] =	vst v63  }
0xe: {  	s21 =	simm.s32 $0x80;
	s5 =	sadd.s32 $0x10, s4  }
0xf: {  	[tilespmem:s21], [sflag:$0x1] =	stream.linear.gather [hbm4b:s5+s3], $0x70, $0x38;
	[tilespmem:$0x480] =	vst v63  }
0x10: {  	s23 =	simm.s32 $0x100;
	s22 =	sadd.s32 $0x20, s4  }
0x11: {  	[tilespmem:s23], [sflag:$0x1] =	stream.linear.gather [hbm4b:s22+s3], $0x70, $0x38;
	[tilespmem:$0x480] =	vst v63  }
0x12: {  	s25 =	simm.s32 $0x180;
	s24 =	sadd.s32 $0x30, s4  }
0x13: {  	[tilespmem:s25], [sflag:$0x1] =	stream.linear.gather [hbm4b:s24+s3], $0x70, $0x38;
	[tilespmem:$0x480] =	vst v63  }
0x14: {  	s26 =	simm.s32 $0x200;
	s28 =	simm.s32 $0x1;
	s4 =	sadd.s32 $0x40, s4  }
0x15: {  	[tilespmem:s26], [sflag:$0x1] =	stream.linear.gather [hbm4b:s4+s3], $0x70, $0x38;
	[tilespmem:$0x480] =	vst v63  }
0x16: {  	_ =	swait.ge [sflag:s28], $0x70  }
0x17: {  	[sflag:s28] =	ssyncset.done $0x0  }
0x18: {  	[sflag:s28] =	ssyncadd.s32 $0xFFFFFF90  }
0x19: {  	_ =	swait.ge [sflag:s28], $0x70  }
0x1a: {  	[sflag:s28] =	ssyncset.done $0x0  }
0x1b: {  	[sflag:s28] =	ssyncadd.s32 $0xFFFFFF90  }
0x1c: {  	_ =	swait.ge [sflag:s28], $0x70  }
0x1d: {  	[sflag:s28] =	ssyncset.done $0x0  }
0x1e: {  	[sflag:s28] =	ssyncadd.s32 $0xFFFFFF90  }
0x1f: {  	_ =	swait.ge [sflag:s28], $0x70  }
0x20: {  	[sflag:s28] =	ssyncset.done $0x0  }
0x21: {  	[sflag:s28] =	ssyncadd.s32 $0xFFFFFF90  }
0x22: {  	_ =	swait.ge [sflag:s28], $0x70  }
0x23: {  	[sflag:s28] =	ssyncset.done $0x0  }
0x24: {  	[sflag:s28] =	ssyncadd.s32 $0xFFFFFF90  }
0x25: {  	v0 =	vld [tilespmem:$0x0]  }
0x26: {  	v1 =	vld [tilespmem:$0x10];
	_ =	sdelay $0x1  }
0x27: {  	v2 =	vld [tilespmem:$0x20];
	_ =	sdelay $0x1  }
0x28: {  	v3 =	vld [tilespmem:$0x30]  }
0x29: {  	v0 =	vadd.f32 v1, v0  }
0x2a: {  	v30 =	vld [tilespmem:$0x40]  }
0x2b: {  	v0 =	vadd.f32 v2, v0  }
0x2c: {  	v31 =	vld [tilespmem:$0x50]  }
0x2d: {  	v0 =	vadd.f32 v3, v0;
	_ =	sdelay $0x1  }
0x2e: {  	v0 =	vadd.f32 v30, v0;
	_ =	sdelay $0x1  }
0x2f: {  	v0 =	vadd.f32 v31, v0;
	_ =	sdelay $0x1  }
0x30: {  	(v2sf) =	vpush v0, $0x0  }
0x31: {  	(v2sf) =	vpush v0, $0x1  }
0x32: {  	(v2sf) =	vpush v0, $0x2  }
0x33: {  	(v2sf) =	vpush v0, $0x3  }
0x34: {  	v32 =	vld [tilespmem:$0x80];
	(v2sf) =	vpush v0, $0x4  }
0x35: {  	v33 =	vld [tilespmem:$0x90];
	(v2sf) =	vpush v0, $0x5  }
0x36: {  	(v2sf) =	vpush v0, $0x6  }
0x37: {  	v34 =	vld [tilespmem:$0xA0];
	(v2sf) =	vpush v0, $0x7  }
0x38: {  	(v2sf) =	vpush v0, $0x8  }
0x39: {  	v4 =	vld [tilespmem:$0xB0];
	(v2sf) =	vpush v0, $0x9  }
0x3a: {  	v5 =	vld [tilespmem:$0x60];
	v1 =	vadd.f32 v33, v32;
	(v2sf) =	vpush v0, $0xA  }
0x3b: {  	v35 =	vld [tilespmem:$0xC0];
	(v2sf) =	vpush v0, $0xB  }
0x3c: {  	v1 =	vadd.f32 v34, v1;
	(v2sf) =	vpush v0, $0xC  }
0x3d: {  	v36 =	vld [tilespmem:$0xD0];
	(v2sf) =	vpush v0, $0xD  }
0x3e: {  	v1 =	vadd.f32 v4, v1;
	(v2sf) =	vpush v0, $0xE  }
0x3f: {  	s29 =	spop (v2sf);
	(v2sf) =	vpush v0, $0xF  }
0x40: {  	v37 =	vadd.f32 v35, v1;
	s30 =	spop (v2sf);
	(v2sf) =	vpush v5, $0x0  }
0x41: {  	s31 =	spop (v2sf);
	(v2sf) =	vpush v5, $0x1  }
0x42: {  	v0 =	vadd.f32 v36, v37;
	s7 =	spop (v2sf);
	(v2sf) =	vpush v5, $0x2  }
0x43: {  	s8 =	spop (v2sf);
	(v2sf) =	vpush v5, $0x3  }
0x44: {  	s9 =	spop (v2sf);
	(v2sf) =	vpush v0, $0x0  }
0x45: {  	s4 =	sadd.f32 s30, s29;
	s0 =	spop (v2sf);
	(v2sf) =	vpush v0, $0x1  }
0x46: {  	s10 =	spop (v2sf);
	(v2sf) =	vpush v0, $0x2  }
0x47: {  	s4 =	sadd.f32 s4, s31;
	s14 =	spop (v2sf);
	(v2sf) =	vpush v0, $0x3  }
0x48: {  	v38 =	vld [tilespmem:$0x100];
	s11 =	spop (v2sf);
	(v2sf) =	vpush v0, $0x4  }
0x49: {  	v39 =	vld [tilespmem:$0x110];
	s4 =	sadd.f32 s4, s7;
	s15 =	spop (v2sf);
	(v2sf) =	vpush v0, $0x5  }
0x4a: {  	s12 =	spop (v2sf);
	(v2sf) =	vpush v0, $0x6  }
0x4b: {  	v40 =	vld [tilespmem:$0x120];
	s4 =	sadd.f32 s4, s8;
	s16 =	spop (v2sf);
	(v2sf) =	vpush v0, $0x7  }
0x4c: {  	s13 =	spop (v2sf);
	(v2sf) =	vpush v0, $0x8  }
0x4d: {  	v41 =	vld [tilespmem:$0x130];
	s4 =	sadd.f32 s4, s9;
	s29 =	spop (v2sf);
	(v2sf) =	vpush v0, $0x9  }
0x4e: {  	v42 =	vld [tilespmem:$0xE0];
	v1 =	vadd.f32 v39, v38;
	s25 =	spop (v2sf);
	(v2sf) =	vpush v0, $0xA  }
0x4f: {  	v43 =	vld [tilespmem:$0x140];
	s4 =	sadd.f32 s4, s0;
	s26 =	spop (v2sf);
	(v2sf) =	vpush v0, $0xB  }
0x50: {  	v1 =	vadd.f32 v40, v1;
	s30 =	spop (v2sf);
	(v2sf) =	vpush v0, $0xC  }
0x51: {  	v44 =	vld [tilespmem:$0x150];
	s10 =	sadd.f32 s4, s10;
	s22 =	spop (v2sf);
	(v2sf) =	vpush v0, $0xD  }
0x52: {  	v1 =	vadd.f32 v41, v1;
	s31 =	spop (v2sf);
	(v2sf) =	vpush v0, $0xE  }
0x53: {  	s6 =	sadd.f32 s10, s14;
	s24 =	spop (v2sf);
	(v2sf) =	vpush v0, $0xF  }
0x54: {  	v45 =	vadd.f32 v43, v1;
	s28 =	spop (v2sf);
	(v2sf) =	vpush v42, $0x0  }
0x55: {  	s6 =	sadd.f32 s6, s11;
	s23 =	spop (v2sf);
	(v2sf) =	vpush v42, $0x1  }
0x56: {  	v0 =	vadd.f32 v44, v45;
	s21 =	spop (v2sf);
	(v2sf) =	vpush v42, $0x2  }
0x57: {  	s6 =	sadd.f32 s6, s15;
	s20 =	spop (v2sf);
	(v2sf) =	vpush v42, $0x3  }
0x58: {  	s19 =	spop (v2sf);
	(v2sf) =	vpush v0, $0x0  }
0x59: {  	s6 =	sadd.f32 s6, s12;
	s18 =	spop (v2sf);
	(v2sf) =	vpush v0, $0x1  }
0x5a: {  	s17 =	spop (v2sf);
	(v2sf) =	vpush v0, $0x2  }
0x5b: {  	s6 =	sadd.f32 s6, s16;
	s16 =	spop (v2sf);
	(v2sf) =	vpush v0, $0x3  }
0x5c: {  	v46 =	vld [tilespmem:$0x180];
	s15 =	spop (v2sf);
	(v2sf) =	vpush v0, $0x4  }
0x5d: {  	v47 =	vld [tilespmem:$0x190];
	s6 =	sadd.f32 s6, s13;
	s14 =	spop (v2sf);
	(v2sf) =	vpush v0, $0x5  }
0x5e: {  	s13 =	spop (v2sf);
	(v2sf) =	vpush v0, $0x6  }
0x5f: {  	v48 =	vld [tilespmem:$0x1A0];
	s6 =	sadd.f32 s6, s29;
	s12 =	spop (v2sf);
	(v2sf) =	vpush v0, $0x7  }
0x60: {  	s11 =	spop (v2sf);
	(v2sf) =	vpush v0, $0x8  }
0x61: {  	v49 =	vld [tilespmem:$0x1B0];
	s6 =	sadd.f32 s6, s25;
	s10 =	spop (v2sf);
	(v2sf) =	vpush v0, $0x9  }
0x62: {  	v50 =	vld [tilespmem:$0x160];
	v1 =	vadd.f32 v47, v46;
	s8 =	spop (v2sf);
	(v2sf) =	vpush v0, $0xA  }
0x63: {  	v51 =	vld [tilespmem:$0x1C0];
	s6 =	sadd.f32 s6, s26;
	s9 =	spop (v2sf);
	(v2sf) =	vpush v0, $0xB  }
0x64: {  	v1 =	vadd.f32 v48, v1;
	s24 =	sadd.f32 s28, s24;
	s7 =	spop (v2sf);
	(v2sf) =	vpush v0, $0xC  }
0x65: {  	v52 =	vld [tilespmem:$0x1D0];
	s0 =	sadd.f32 s6, s30;
	s6 =	spop (v2sf);
	(v2sf) =	vpush v0, $0xD  }
0x66: {  	v1 =	vadd.f32 v49, v1;
	s5 =	spop (v2sf);
	(v2sf) =	vpush v0, $0xE  }
0x67: {  	s23 =	sadd.f32 s24, s23;
	s26 =	spop (v2sf);
	(v2sf) =	vpush v0, $0xF  }
0x68: {  	v53 =	vadd.f32 v51, v1;
	s22 =	sadd.f32 s0, s22;
	s28 =	spop (v2sf);
	(v2sf) =	vpush v50, $0x0  }
0x69: {  	s21 =	sadd.f32 s23, s21;
	s29 =	spop (v2sf);
	(v2sf) =	vpush v50, $0x1  }
0x6a: {  	s4 =	sadd.f32 s22, s31;
	v0 =	vadd.f32 v52, v53;
	s30 =	spop (v2sf);
	(v2sf) =	vpush v50, $0x2  }
0x6b: {  	s25 =	sadd.f32 s28, s26;
	s31 =	spop (v2sf);
	(v2sf) =	vpush v50, $0x3  }
0x6c: {  	s20 =	sadd.f32 s21, s20;
	s0 =	spop (v2sf);
	(v2sf) =	vpush v0, $0x0  }
0x6d: {  	s22 =	sadd.f32 s25, s29;
	s25 =	spop (v2sf);
	(v2sf) =	vpush v0, $0x1  }
0x6e: {  	s19 =	sadd.f32 s20, s19;
	s21 =	spop (v2sf);
	(v2sf) =	vpush v0, $0x2  }
0x6f: {  	s22 =	sadd.f32 s22, s30;
	s28 =	spop (v2sf);
	(v2sf) =	vpush v0, $0x3  }
0x70: {  	v54 =	vld [tilespmem:$0x200];
	s18 =	sadd.f32 s19, s18;
	s29 =	spop (v2sf);
	(v2sf) =	vpush v0, $0x4  }
0x71: {  	v55 =	vld [tilespmem:$0x210];
	s22 =	sadd.f32 s22, s31;
	s30 =	spop (v2sf);
	(v2sf) =	vpush v0, $0x5  }
0x72: {  	s17 =	sadd.f32 s18, s17;
	s31 =	spop (v2sf);
	(v2sf) =	vpush v0, $0x6  }
0x73: {  	v56 =	vld [tilespmem:$0x220];
	s22 =	sadd.f32 s22, s0;
	s0 =	spop (v2sf);
	(v2sf) =	vpush v0, $0x7  }
0x74: {  	s16 =	sadd.f32 s17, s16;
	s18 =	spop (v2sf);
	(v2sf) =	vpush v0, $0x8  }
0x75: {  	v57 =	vld [tilespmem:$0x230];
	s22 =	sadd.f32 s22, s25;
	s25 =	spop (v2sf);
	(v2sf) =	vpush v0, $0x9  }
0x76: {  	v58 =	vld [tilespmem:$0x1E0];
	v1 =	vadd.f32 v55, v54;
	s15 =	sadd.f32 s16, s15;
	s17 =	spop (v2sf);
	(v2sf) =	vpush v0, $0xA  }
0x77: {  	v59 =	vld [tilespmem:$0x240];
	s21 =	sadd.f32 s22, s21;
	s22 =	spop (v2sf);
	(v2sf) =	vpush v0, $0xB  }
0x78: {  	v1 =	vadd.f32 v56, v1;
	s14 =	sadd.f32 s15, s14;
	s16 =	spop (v2sf);
	(v2sf) =	vpush v0, $0xC  }
0x79: {  	v60 =	vld [tilespmem:$0x250];
	s21 =	sadd.f32 s21, s28;
	s24 =	spop (v2sf);
	(v2sf) =	vpush v0, $0xD  }
0x7a: {  	v1 =	vadd.f32 v57, v1;
	s13 =	sadd.f32 s14, s13;
	s15 =	spop (v2sf);
	(v2sf) =	vpush v0, $0xE  }
0x7b: {  	s20 =	sadd.f32 s21, s29;
	(v2sf) =	vpush v0, $0xF;
	s21 =	spop (v2sf)  }
0x7c: {  	v61 =	vadd.f32 v59, v1;
	s12 =	sadd.f32 s13, s12;
	s28 =	spop (v2sf);
	(v2sf) =	vpush v58, $0x0  }
0x7d: {  	s30 =	sadd.f32 s20, s30;
	s20 =	spop (v2sf);
	(v2sf) =	vpush v58, $0x1  }
0x7e: {  	s11 =	sadd.f32 s12, s11;
	v0 =	vadd.f32 v60, v61;
	s26 =	spop (v2sf);
	(v2sf) =	vpush v58, $0x2  }
0x7f: {  	s31 =	sadd.f32 s30, s31;
	s19 =	spop (v2sf);
	(v2sf) =	vpush v58, $0x3  }
0x80: {  	s10 =	sadd.f32 s11, s10;
	s29 =	spop (v2sf);
	(v2sf) =	vpush v0, $0x0  }
0x81: {  	s0 =	sadd.f32 s31, s0;
	s23 =	spop (v2sf);
	(v2sf) =	vpush v0, $0x1  }
0x82: {  	s8 =	sadd.f32 s10, s8;
	s30 =	spop (v2sf)  }
0x83: {  	s13 =	sadd.f32 s0, s18;
	(v2sf) =	vpush v0, $0x2;
	s18 =	spop (v2sf)  }
0x84: {  	s8 =	sadd.f32 s8, s9;
	s31 =	spop (v2sf)  }
0x85: {  	s14 =	sadd.f32 s13, s25;
	(v2sf) =	vpush v0, $0x3;
	s25 =	spop (v2sf)  }
0x86: {  	s7 =	sadd.f32 s8, s7;
	s0 =	smov.u32 s2;
	s2 =	spop (v2sf)  }
0x87: {  	(v2sf) =	vpush v0, $0x4;
	s17 =	sadd.f32 s14, s17;
	s14 =	spop (v2sf)  }
0x88: {  	s13 =	spop (v2sf)  }
0x89: {  	s6 =	sadd.f32 s7, s6;
	(v2sf) =	vpush v0, $0x5;
	s11 =	spop (v2sf)  }
0x8a: {  	s10 =	sadd.f32 s17, s22;
	s12 =	spop (v2sf)  }
0x8b: {  	s5 =	sadd.f32 s6, s5;
	s9 =	spop (v2sf);
	(v2sf) =	vpush v0, $0x6  }
0x8c: {  	s16 =	sadd.f32 s10, s16;
	s10 =	spop (v2sf)  }
0x8d: {  	s22 =	sadd.f32 s28, s21;
	(v2sf) =	vpush v0, $0x7;
	s8 =	spop (v2sf)  }
0x8e: {  	s17 =	sadd.f32 s16, s24;
	s7 =	spop (v2sf)  }
0x8f: {  	s16 =	sadd.f32 s22, s20;
	(v2sf) =	vpush v0, $0x8;
	s24 =	spop (v2sf)  }
0x90: {  	s6 =	sadd.f32 s17, s15;
	s28 =	spop (v2sf)  }
0x91: {  	(v2sf) =	vpush v0, $0x9;
	s15 =	sadd.f32 s28, s24  }
0x92: {  	s16 =	sadd.f32 s16, s26;
	s20 =	spop (v2sf)  }
0x93: {  	(v2sf) =	vpush v0, $0xA;
	s15 =	sadd.f32 s15, s20  }
0x94: {  	s16 =	sadd.f32 s16, s19;
	s21 =	spop (v2sf)  }
0x95: {  	(v2sf) =	vpush v0, $0xB;
	s15 =	sadd.f32 s15, s21  }
0x96: {  	s16 =	sadd.f32 s16, s29;
	s22 =	spop (v2sf)  }
0x97: {  	(v2sf) =	vpush v0, $0xC;
	s15 =	sadd.f32 s15, s22  }
0x98: {  	s16 =	sadd.f32 s16, s23;
	s24 =	spop (v2sf)  }
0x99: {  	(v2sf) =	vpush v0, $0xD;
	s15 =	sadd.f32 s15, s24  }
0x9a: {  	v62 =	vld [tilespmem:$0x260];
	s16 =	sadd.f32 s16, s30;
	s26 =	spop (v2sf)  }
0x9b: {  	(v2sf) =	vpush v0, $0xE;
	s15 =	sadd.f32 s15, s26  }
0x9c: {  	s16 =	sadd.f32 s16, s18;
	s28 =	spop (v2sf)  }
0x9d: {  	(v2sf) =	vpush v0, $0xF;
	s15 =	sadd.f32 s15, s28  }
0x9e: {  	s16 =	sadd.f32 s16, s31;
	s29 =	spop (v2sf)  }
0x9f: {  	(v2sf) =	vpush v62, $0x0;
	s15 =	sadd.f32 s15, s29  }
0xa0: {  	s16 =	sadd.f32 s16, s25;
	s30 =	spop (v2sf)  }
0xa1: {  	(v2sf) =	vpush v62, $0x1;
	s15 =	sadd.f32 s15, s30  }
0xa2: {  	s2 =	sadd.f32 s16, s2;
	s31 =	spop (v2sf)  }
0xa3: {  	(v2sf) =	vpush v62, $0x2;
	s15 =	sadd.f32 s15, s31  }
0xa4: {  	s2 =	sadd.f32 s2, s14;
	s16 =	spop (v2sf)  }
0xa5: {  	(v2sf) =	vpush v62, $0x3;
	s14 =	sadd.f32 s15, s16  }
0xa6: {  	s17 =	spop (v2sf);
	s2 =	sadd.f32 s2, s13  }
0xa7: {  	s13 =	sadd.f32 s14, s17  }
0xa8: {  	s18 =	spop (v2sf);
	s2 =	sadd.f32 s2, s11  }
0xa9: {  	s11 =	sadd.f32 s13, s18  }
0xaa: {  	s2 =	sadd.f32 s2, s12;
	s19 =	spop (v2sf)  }
0xab: {  	s11 =	sadd.f32 s11, s19  }
0xac: {  	s2 =	sadd.f32 s2, s9;
	s20 =	spop (v2sf)  }
0xad: {  	s9 =	sadd.f32 s11, s20  }
0xae: {  	s2 =	sadd.f32 s2, s10;
	s21 =	spop (v2sf)  }
0xaf: {  	s9 =	sadd.f32 s9, s21  }
0xb0: {  	s2 =	sadd.f32 s2, s8;
	s22 =	spop (v2sf)  }
0xb1: {  	s8 =	sadd.f32 s9, s22  }
0xb2: {  	s4 =	smul.f32 $9.999999770e-03, s4;
	s23 =	spop (v2sf)  }
0xb3: {  	s5 =	smul.f32 $9.999999770e-03, s5;
	s8 =	sadd.f32 s8, s23  }
0xb4: {  	vm0 =	vcmask $0x300;
	v63 =	vmov s4;
	s2 =	sadd.f32 s2, s7;
	s24 =	spop (v2sf)  }
0xb5: {  	vm12 =	vcmask $0x704;
	s25 =	smul.f32 $9.999999770e-03, s6;
	v0 =	vnsel vm0, $0x0, v63;
	s26 =	sadd.f32 s8, s24  }
0xb6: {  	vm13 =	vcmask $0xB08;
	v0 =	vsel vm12, s5, v0;
	s2 =	smul.f32 $9.999999770e-03, s2  }
0xb7: {  	vm14 =	vcmask $0xF0C;
	v0 =	vsel vm13, s25, v0;
	s28 =	smul.f32 $9.999999770e-03, s26  }
0xb8: {  	vm15 =	vcmask $0x1310;
	s6 =	stileid.u32;
	v0 =	vsel vm14, s2, v0  }
0xb9: {  	s29 =	sshll.u32 s6, $0x4;
	v0 =	vsel vm15, s28, v0  }
0xba: {  	s30 =	simm.s32 $0x400;
	s31 =	simm.s32 $0x2;
	s2 =	sadd.s32 s0, s29;
	[tilespmem:$0x400] =	vst v0  }
0xbb: {  	[hbm4b:s2+s3] =	stream.linear.scatter [tilespmem:s30], [sflag:$0x2], $0x80, $0x38;
	[tilespmem:$0x480] =	vst v63  }
0xbc: {  	_ =	swait.ge [sflag:s31], $0x80  }
0xbd: {  	[sflag:s31] =	ssyncset.done $0x0  }
0xbe: {  	[sflag:s31] =	ssyncadd.s32 $0xFFFFFF80  }
.LBB2_2:
0xbf: {  	_ =	sfence.sel $0x180000  }
0xc0: {  	[bflag:$0x0] =	sbarrier.arrive $0xFFFF  }
0xc1: {  	p0 =	sne.s32 s6, $0x0;
	_ =	strace $0x90000047  }
0xc2: {  	s0 =	sadd.s32 @!p0 $0x100000, s1;
	[bflag:$0x2] =	sbarrier.arrive $0xFFFF  }
0xc3: {  	[sflag:s0] =	ssyncadd.tile.s32 @!p0 $0x1;
	_ =	shalt  }
.Lfunc_end2:
_tile_overlayer_lowered:
.L_overlay_start_2:
0xc4: {  	(tag) =	ssettag $0x2  }
0xc5: {  	s0 =	rddreg [dreg:$0x0];
	s2 =	stileid.u32  }
0xc6: {  	s1 =	rddreg [dreg:$0x1];
	p0 =	sne.s32 s2, $0x0  }
0xc7: {  	s3 =	rddreg [dreg:$0x2];
	[bflag:$0x3] =	sbarrier.arrive $0xFFFF;
	s2 =	simm.s32 @!p0 $0x1C02  }
0xc8: {  	[timem:s3], [sflag:s2] =	dma.local @!p0 [hbm:s0], s1  }
0xc9: {  	s0 =	simm.s32 @!p0 $0x2  }
0xca: {  	_ =	swait.ge @!p0 [sflag:s0], s1  }
0xcb: {  	s1 =	ssub.s32 @!p0 $0x0, s1;
	[sflag:s0] =	ssyncset.done @!p0 $0x0  }
0xcc: {  	[sflag:s0] =	ssyncadd.s32 @!p0 s1  }
0xcd: {  	[bflag:$0x3] =	sbarrier.arrive $0xFFFF  }
0xce: {  	_ =	shalt  }

</sc_bundles>
